<compile_context>
chip_gen: v7x
topology: tpu7x:2x2x1
jax: 0.10.2.dev20260603
libtpu: 0.0.44.dev20260713+nightly
codegen_flags: <defaults>
</compile_context>

<pallas_src>
import functools

import jax
import jax.numpy as jnp
from jax import lax
from jax.experimental import pallas as pl
from jax.experimental.pallas import tpu as pltpu
from jax.experimental.pallas import tpu_sc as plsc

VOCAB = 1000
LUT_SIZE = 1024
MASK_VALUE = 0
DEFAULT_VAL = 1

NC, NS, L = 2, 16, 16
NW = NC * NS

ROWS, COLS = 16384, 200
TR, TC = COLS, ROWS
FULL_RPW = TR // NW
REM_ROWS = TR - FULL_RPW * NW
QUART = TC * REM_ROWS // NW
NSLOT = FULL_RPW + 1
NBUF = 4


def _body(inputs_hbm, keys_hbm, vals_hbm, out_hbm,
          keys_v, vals_v, lut_v, bufs, sems_in, sem_out):
    wid = lax.axis_index("s") * NC + lax.axis_index("c")
    base_row = wid * FULL_RPW
    rem_row = FULL_RPW * NW + wid // (TC // QUART)
    rem_col = (wid % (TC // QUART)) * QUART

    def in_copy(s, make_only=False):
        mk = pltpu.make_async_copy if make_only else pltpu.async_copy
        if s < FULL_RPW:
            return mk(inputs_hbm.at[base_row + s], bufs[s % NBUF],
                      sems_in[s % 3])
        return mk(inputs_hbm.at[rem_row, pl.ds(rem_col, QUART)],
                  bufs[s % NBUF].at[pl.ds(0, QUART)], sems_in[s % 3])

    def out_copy(s, make_only=False):
        mk = pltpu.make_async_copy if make_only else pltpu.async_copy
        if s < FULL_RPW:
            return mk(bufs[s % NBUF], out_hbm.at[base_row + s], sem_out)
        return mk(bufs[s % NBUF].at[pl.ds(0, QUART)],
                  out_hbm.at[rem_row, pl.ds(rem_col, QUART)], sem_out)

    in_copy(0)
    in_copy(1)

    pltpu.sync_copy(keys_hbm, keys_v.at[pl.ds(0, VOCAB)])
    pltpu.sync_copy(vals_hbm, vals_v.at[pl.ds(0, VOCAB)])

    lane = lax.iota(jnp.int32, L)
    default = jnp.full((L,), DEFAULT_VAL, jnp.int32)

    @plsc.parallel_loop(0, LUT_SIZE // L, unroll=4)
    def _init(i):
        lut_v[pl.ds(i * L, L)] = default

    @plsc.parallel_loop(0, LUT_SIZE // L, unroll=4)
    def _scat(j):
        k = keys_v[pl.ds(j * L, L)]
        v = vals_v[pl.ds(j * L, L)]
        valid = (j * L + lane < VOCAB) & (k >= 0) & (k < LUT_SIZE)
        plsc.store_scatter(lut_v, [k], v, mask=valid)

    head = lut_v[pl.ds(0, L)]
    lut_v[pl.ds(0, L)] = jnp.where(lane == MASK_VALUE, 0, head)

    for s in range(NSLOT):
        if s + 2 < NSLOT:
            if s + 2 >= NBUF:
                out_copy(s + 2 - NBUF, make_only=True).wait()
            in_copy(s + 2)

        in_copy(s, make_only=True).wait()
        buf = bufs[s % NBUF]
        n = TC if s < FULL_RPW else QUART

        @plsc.parallel_loop(0, n // L, unroll=8)
        def _gather(i, buf=buf):
            x = buf[pl.ds(i * L, L)]
            buf[pl.ds(i * L, L)] = plsc.load_gather(lut_v, [x])

        out_copy(s)

    for s in range(max(0, NSLOT - NBUF), NSLOT):
        out_copy(s, make_only=True).wait()


_lookup = functools.partial(
    pl.kernel,
    out_type=jax.ShapeDtypeStruct((TR, TC), jnp.int32),
    mesh=plsc.VectorSubcoreMesh(core_axis_name="c", subcore_axis_name="s"),
    scratch_types=[
        pltpu.VMEM((LUT_SIZE,), jnp.int32),
        pltpu.VMEM((LUT_SIZE,), jnp.int32),
        pltpu.VMEM((LUT_SIZE,), jnp.int32),
        [pltpu.VMEM((TC,), jnp.int32) for _ in range(NBUF)],
        [pltpu.SemaphoreType.DMA for _ in range(3)],
        pltpu.SemaphoreType.DMA,
    ],
    compiler_params=pltpu.CompilerParams(needs_layout_passes=False,
                                         skip_device_barrier=True,
                                         disable_bounds_checks=True,
                                         disable_semaphore_checks=True),
)(_body)


@jax.jit
def kernel(inputs, keys, vals):
    out = _lookup(inputs.T, keys, vals)
    return out.T

# --- scband reference (transcript-rebuilt; emitter-appended) ---
"""Pipeline reference for scband-vocab-layer-27599459844144 (READ-ONLY COPY).

The authoritative reference and input builder live on the scoring server;
editing this copy changes nothing except your own understanding.
"""

import jax, jax.numpy as jnp
import numpy as np

VOCAB = 1000
MASK_VALUE = 0

def setup_inputs(seed: int = 0) -> dict:
    key = jax.random.key(seed)
    inputs = jax.random.randint(key, (16384, 200), 0, 1000, dtype=jnp.int32)
    # Hash table state: keys = list(range(1000)) (sorted), vals = range(2, 1002), default = 1
    keys = jnp.arange(VOCAB, dtype=jnp.int32)
    vals = jnp.arange(2, VOCAB + 2, dtype=jnp.int32)
    return {"inputs": inputs, "keys": keys, "vals": vals}

def reference(inputs, keys, vals):
    # Emulate tf.lookup.StaticHashTable lookup with sorted integer keys:
    # find candidate position via searchsorted, check exact match, else default value 1.
    pos = jnp.searchsorted(keys, inputs)
    pos_c = jnp.clip(pos, 0, keys.shape[0] - 1)
    found = jnp.take(keys, pos_c) == inputs
    idx = jnp.where(found, jnp.take(vals, pos_c), jnp.int32(1))
    # mask_value handling: positions equal to mask_value are zeroed out
    masks = inputs != MASK_VALUE
    idx = jnp.where(masks, idx, jnp.zeros_like(idx))
    return idx

if __name__ == "__main__":
    import jax
    _d = setup_inputs()
    print(jax.jit(kernel)(*tuple(_d.values())))

</pallas_src>

<mosaic_0001>
#map = affine_map<(d0, d1) -> (0, 0)>
#map1 = affine_map<(d0, d1) -> (0)>
module attributes {stable_mosaic.version = 14 : i64} {
  func.func @_body(%arg0: i32, %arg1: i32, %arg2: memref<200x16384xi32, #tpu.memory_space<hbm>>, %arg3: memref<1000xi32, #tpu.memory_space<hbm>>, %arg4: memref<1000xi32, #tpu.memory_space<hbm>>, %arg5: memref<200x16384xi32, #tpu.memory_space<hbm>>, %arg6: memref<1024xi32, #tpu.memory_space<vmem>>, %arg7: memref<1024xi32, #tpu.memory_space<vmem>>, %arg8: memref<1024xi32, #tpu.memory_space<vmem>>, %arg9: memref<16384xi32, #tpu.memory_space<vmem>>, %arg10: memref<16384xi32, #tpu.memory_space<vmem>>, %arg11: memref<16384xi32, #tpu.memory_space<vmem>>, %arg12: memref<16384xi32, #tpu.memory_space<vmem>>, %arg13: memref<!tpu.dma_semaphore, #tpu.memory_space<semaphore_mem>>, %arg14: memref<!tpu.dma_semaphore, #tpu.memory_space<semaphore_mem>>, %arg15: memref<!tpu.dma_semaphore, #tpu.memory_space<semaphore_mem>>, %arg16: memref<!tpu.dma_semaphore, #tpu.memory_space<semaphore_mem>>) attributes {dimension_semantics = [#tpu.dimension_semantics<core_parallel>, #tpu.dimension_semantics<subcore_parallel>], iteration_bounds = array<i64: 2, 16>, scalar_prefetch = 0 : i64, scratch_operands = 11 : i64, tpu.core_type = #tpu.core_type<sc_vector_subcore>, window_params = [{transform_indices = #map}, {transform_indices = #map1}, {transform_indices = #map1}, {transform_indices = #map}]} {
    %mul3A = arith.constant 2 : i32
    %mul3A_0 = arith.muli %arg1, %mul3A : i32
    %add3A = arith.addi %mul3A_0, %arg0 : i32
    %mul3A_1 = arith.constant 6 : i32
    %mul3A_2 = arith.muli %add3A, %mul3A_1 : i32
    %jit3A = arith.constant 4 : i32
    %div3A = arith.divsi %add3A, %jit3A : i32
    %sign3A = arith.constant 0 : i32
    %sign3A_3 = arith.cmpi sgt, %add3A, %sign3A : i32
    %sign3A_4 = arith.extui %sign3A_3 : i1 to i32
    %sign3A_5 = arith.constant 0 : i32
    %sign3A_6 = arith.cmpi slt, %add3A, %sign3A_5 : i32
    %sign3A_7 = arith.extui %sign3A_6 : i1 to i32
    %sign3A_8 = arith.subi %sign3A_4, %sign3A_7 : i32
    %sign3A_9 = arith.constant 0 : i32
    %sign3A_10 = arith.cmpi sgt, %jit3A, %sign3A_9 : i32
    %sign3A_11 = arith.extui %sign3A_10 : i1 to i32
    %sign3A_12 = arith.constant 0 : i32
    %sign3A_13 = arith.cmpi slt, %jit3A, %sign3A_12 : i32
    %sign3A_14 = arith.extui %sign3A_13 : i1 to i32
    %sign3A_15 = arith.subi %sign3A_11, %sign3A_14 : i32
    %ne3A = arith.cmpi ne, %sign3A_8, %sign3A_15 : i32
    %rem3A = arith.remsi %add3A, %jit3A : i32
    %ne3A_16 = arith.constant 0 : i32
    %ne3A_17 = arith.cmpi ne, %rem3A, %ne3A_16 : i32
    %and3A = arith.andi %ne3A, %ne3A_17 : i1
    %sub3A = arith.constant 1 : i32
    %sub3A_18 = arith.subi %div3A, %sub3A : i32
    %select_n3A = arith.select %and3A, %sub3A_18, %div3A : i32
    %add3A_19 = arith.constant 192 : i32
    %add3A_20 = arith.addi %add3A_19, %select_n3A : i32
    %jit3A_21 = arith.constant 4 : i32
    %eq3A = arith.constant 0 : i32
    %eq3A_22 = arith.cmpi eq, %jit3A_21, %eq3A : i32
    %jit3A_23 = arith.constant 1 : i32
    %select_n3A_24 = arith.select %eq3A_22, %jit3A_23, %jit3A_21 : i32
    %rem3A_25 = arith.remsi %add3A, %select_n3A_24 : i32
    %ne3A_26 = arith.constant 0 : i32
    %ne3A_27 = arith.cmpi ne, %rem3A_25, %ne3A_26 : i32
    %lt3A = arith.constant 0 : i32
    %lt3A_28 = arith.cmpi slt, %rem3A_25, %lt3A : i32
    %lt3A_29 = arith.constant 0 : i32
    %lt3A_30 = arith.cmpi slt, %select_n3A_24, %lt3A_29 : i32
    %ne3A_31 = arith.xori %lt3A_28, %lt3A_30 : i1
    %and3A_32 = arith.andi %ne3A_31, %ne3A_27 : i1
    %add3A_33 = arith.addi %rem3A_25, %select_n3A_24 : i32
    %select_n3A_34 = arith.select %and3A_32, %add3A_33, %rem3A_25 : i32
    %mul3A_35 = arith.constant 4096 : i32
    %mul3A_36 = arith.muli %select_n3A_34, %mul3A_35 : i32
    %add3A_37 = arith.constant 0 : i32
    %add3A_38 = arith.addi %mul3A_2, %add3A_37 : i32
    %dma_start3A = arith.constant 0 : i32
    %dma_start3A_39 = tpu.memref_slice %arg2[%add3A_38, %dma_start3A] : memref<200x16384xi32, #tpu.memory_space<hbm>> -> memref<1x16384xi32, #tpu.memory_space<hbm>>
    %dma_start3A_40 = tpu.memref_squeeze %dma_start3A_39 : memref<1x16384xi32, #tpu.memory_space<hbm>> -> memref<16384xi32, #tpu.memory_space<hbm>>
    %dma_start3A_41 = arith.constant 0 : i32
    %dma_start3A_42 = tpu.memref_slice %arg2[%add3A_38, %dma_start3A_41] : memref<200x16384xi32, #tpu.memory_space<hbm>> -> memref<1x16384xi32, #tpu.memory_space<hbm>>
    %dma_start3A_43 = tpu.memref_squeeze %dma_start3A_42 : memref<1x16384xi32, #tpu.memory_space<hbm>> -> memref<16384xi32, #tpu.memory_space<hbm>>
    tpu.enqueue_dma source(%dma_start3A_43 : memref<16384xi32, #tpu.memory_space<hbm>>) target(%arg9 : memref<16384xi32, #tpu.memory_space<vmem>>) target_semaphore(%arg13 : memref<!tpu.dma_semaphore, #tpu.memory_space<semaphore_mem>>)
    %add3A_44 = arith.constant 1 : i32
    %add3A_45 = arith.addi %mul3A_2, %add3A_44 : i32
    %dma_start3A_46 = arith.constant 0 : i32
    %dma_start3A_47 = tpu.memref_slice %arg2[%add3A_45, %dma_start3A_46] : memref<200x16384xi32, #tpu.memory_space<hbm>> -> memref<1x16384xi32, #tpu.memory_space<hbm>>
    %dma_start3A_48 = tpu.memref_squeeze %dma_start3A_47 : memref<1x16384xi32, #tpu.memory_space<hbm>> -> memref<16384xi32, #tpu.memory_space<hbm>>
    %dma_start3A_49 = arith.constant 0 : i32
    %dma_start3A_50 = tpu.memref_slice %arg2[%add3A_45, %dma_start3A_49] : memref<200x16384xi32, #tpu.memory_space<hbm>> -> memref<1x16384xi32, #tpu.memory_space<hbm>>
    %dma_start3A_51 = tpu.memref_squeeze %dma_start3A_50 : memref<1x16384xi32, #tpu.memory_space<hbm>> -> memref<16384xi32, #tpu.memory_space<hbm>>
    tpu.enqueue_dma source(%dma_start3A_51 : memref<16384xi32, #tpu.memory_space<hbm>>) target(%arg10 : memref<16384xi32, #tpu.memory_space<vmem>>) target_semaphore(%arg14 : memref<!tpu.dma_semaphore, #tpu.memory_space<semaphore_mem>>)
    "tpu.region"() ({
      %run_scoped3A = tpu.sem_alloc : memref<!tpu.dma_semaphore, #tpu.memory_space<semaphore_mem>>
      %dma_start3A_294 = arith.constant 0 : i32
      %dma_start3A_295 = tpu.memref_slice %arg6[%dma_start3A_294] : memref<1024xi32, #tpu.memory_space<vmem>> -> memref<1000xi32, #tpu.memory_space<vmem>>
      %dma_start3A_296 = arith.constant 0 : i32
      %dma_start3A_297 = tpu.memref_slice %arg6[%dma_start3A_296] : memref<1024xi32, #tpu.memory_space<vmem>> -> memref<1000xi32, #tpu.memory_space<vmem>>
      tpu.enqueue_dma source(%arg3 : memref<1000xi32, #tpu.memory_space<hbm>>) target(%dma_start3A_297 : memref<1000xi32, #tpu.memory_space<vmem>>) target_semaphore(%run_scoped3A : memref<!tpu.dma_semaphore, #tpu.memory_space<semaphore_mem>>)
      %dma_wait3A_298 = arith.constant 0 : i32
      %dma_wait3A_299 = tpu.memref_slice %arg6[%dma_wait3A_298] : memref<1024xi32, #tpu.memory_space<vmem>> -> memref<1000xi32, #tpu.memory_space<vmem>>
      %dma_wait3A_300 = arith.constant 0 : i32
      %dma_wait3A_301 = tpu.memref_slice %arg6[%dma_wait3A_300] : memref<1024xi32, #tpu.memory_space<vmem>> -> memref<1000xi32, #tpu.memory_space<vmem>>
      tpu.wait_dma2 semaphore(%run_scoped3A : memref<!tpu.dma_semaphore, #tpu.memory_space<semaphore_mem>>) src(%arg3 : memref<1000xi32, #tpu.memory_space<hbm>>) dst(%dma_wait3A_301 : memref<1000xi32, #tpu.memory_space<vmem>>)
      tpu.yield
    }) : () -> ()
    "tpu.region"() ({
      %run_scoped3A = tpu.sem_alloc : memref<!tpu.dma_semaphore, #tpu.memory_space<semaphore_mem>>
      %dma_start3A_294 = arith.constant 0 : i32
      %dma_start3A_295 = tpu.memref_slice %arg7[%dma_start3A_294] : memref<1024xi32, #tpu.memory_space<vmem>> -> memref<1000xi32, #tpu.memory_space<vmem>>
      %dma_start3A_296 = arith.constant 0 : i32
      %dma_start3A_297 = tpu.memref_slice %arg7[%dma_start3A_296] : memref<1024xi32, #tpu.memory_space<vmem>> -> memref<1000xi32, #tpu.memory_space<vmem>>
      tpu.enqueue_dma source(%arg4 : memref<1000xi32, #tpu.memory_space<hbm>>) target(%dma_start3A_297 : memref<1000xi32, #tpu.memory_space<vmem>>) target_semaphore(%run_scoped3A : memref<!tpu.dma_semaphore, #tpu.memory_space<semaphore_mem>>)
      %dma_wait3A_298 = arith.constant 0 : i32
      %dma_wait3A_299 = tpu.memref_slice %arg7[%dma_wait3A_298] : memref<1024xi32, #tpu.memory_space<vmem>> -> memref<1000xi32, #tpu.memory_space<vmem>>
      %dma_wait3A_300 = arith.constant 0 : i32
      %dma_wait3A_301 = tpu.memref_slice %arg7[%dma_wait3A_300] : memref<1024xi32, #tpu.memory_space<vmem>> -> memref<1000xi32, #tpu.memory_space<vmem>>
      tpu.wait_dma2 semaphore(%run_scoped3A : memref<!tpu.dma_semaphore, #tpu.memory_space<semaphore_mem>>) src(%arg4 : memref<1000xi32, #tpu.memory_space<hbm>>) dst(%dma_wait3A_301 : memref<1000xi32, #tpu.memory_space<vmem>>)
      tpu.yield
    }) : () -> ()
    %iota3A = tpu.iota {dimensions = array<i32: 0>} : vector<16xi32>
    %broadcast_in_dim3A = arith.constant 1 : i32
    %broadcast_in_dim3A_52 = vector.broadcast %broadcast_in_dim3A : i32 to vector<16xi32>
    %parallel_loop3A = arith.constant 0 : i32
    %parallel_loop3A_53 = arith.constant 64 : i32
    %parallel_loop3A_54 = arith.constant 1 : i32
    scf.for %parallel_loop3A_294 = %parallel_loop3A to %parallel_loop3A_53 step %parallel_loop3A_54  : i32 {
      %parallel_loop3A_295 = arith.constant 16 : i32
      %parallel_loop3A_296 = arith.muli %parallel_loop3A_294, %parallel_loop3A_295 : i32
      %parallel_loop3A_297 = arith.index_cast %parallel_loop3A_296 : i32 to index
      %parallel_loop3A_298 = tpu.vector_load %arg8[%parallel_loop3A_297] {strides = array<i32>} : memref<1024xi32, #tpu.memory_space<vmem>>, vector<16xi32>,
      tpu.vector_store %arg8[%parallel_loop3A_297], %broadcast_in_dim3A_52 {strides = array<i32>} : memref<1024xi32, #tpu.memory_space<vmem>>, vector<16xi32>,
    } {sc.loop_unroll_factor = 4 : i64, sc.parallel_access}
    %parallel_loop3A_55 = arith.constant 0 : i32
    %parallel_loop3A_56 = arith.constant 64 : i32
    %parallel_loop3A_57 = arith.constant 1 : i32
    scf.for %parallel_loop3A_294 = %parallel_loop3A_55 to %parallel_loop3A_56 step %parallel_loop3A_57  : i32 {
      %parallel_loop3A_295 = arith.constant 16 : i32
      %parallel_loop3A_296 = arith.muli %parallel_loop3A_294, %parallel_loop3A_295 : i32
      %parallel_loop3A_297 = arith.index_cast %parallel_loop3A_296 : i32 to index
      %parallel_loop3A_298 = tpu.vector_load %arg6[%parallel_loop3A_297] {strides = array<i32>} : memref<1024xi32, #tpu.memory_space<vmem>>, vector<16xi32>,
      %parallel_loop3A_299 = arith.constant 16 : i32
      %parallel_loop3A_300 = arith.muli %parallel_loop3A_294, %parallel_loop3A_299 : i32
      %parallel_loop3A_301 = arith.index_cast %parallel_loop3A_300 : i32 to index
      %parallel_loop3A_302 = tpu.vector_load %arg7[%parallel_loop3A_301] {strides = array<i32>} : memref<1024xi32, #tpu.memory_space<vmem>>, vector<16xi32>,
      %parallel_loop3A_303 = arith.constant 16 : i32
      %parallel_loop3A_304 = arith.muli %parallel_loop3A_294, %parallel_loop3A_303 : i32
      %parallel_loop3A_305 = vector.broadcast %parallel_loop3A_304 : i32 to vector<16xi32>
      %parallel_loop3A_306 = arith.addi %parallel_loop3A_305, %iota3A : vector<16xi32>
      %parallel_loop3A_307 = arith.constant 1000 : i32
      %parallel_loop3A_308 = vector.broadcast %parallel_loop3A_307 : i32 to vector<16xi32>
      %parallel_loop3A_309 = arith.cmpi slt, %parallel_loop3A_306, %parallel_loop3A_308 : vector<16xi32>
      %parallel_loop3A_310 = arith.constant 0 : i32
      %parallel_loop3A_311 = vector.broadcast %parallel_loop3A_310 : i32 to vector<16xi32>
      %parallel_loop3A_312 = arith.cmpi sge, %parallel_loop3A_298, %parallel_loop3A_311 : vector<16xi32>
      %parallel_loop3A_313 = arith.andi %parallel_loop3A_309, %parallel_loop3A_312 : vector<16xi1>
      %parallel_loop3A_314 = arith.constant 1024 : i32
      %parallel_loop3A_315 = vector.broadcast %parallel_loop3A_314 : i32 to vector<16xi32>
      %parallel_loop3A_316 = arith.cmpi slt, %parallel_loop3A_298, %parallel_loop3A_315 : vector<16xi32>
      %parallel_loop3A_317 = arith.andi %parallel_loop3A_313, %parallel_loop3A_316 : vector<16xi1>
      tpu.vector_store_idx %arg8[%parallel_loop3A_298], %parallel_loop3A_302 masked %parallel_loop3A_317 : memref<1024xi32, #tpu.memory_space<vmem>>[vector<16xi32>], vector<16xi32>, vector<16xi1>
    } {sc.loop_unroll_factor = 4 : i64, sc.parallel_access}
    %get3A = arith.constant 0 : index
    %get3A_58 = tpu.vector_load %arg8[%get3A] {strides = array<i32>} : memref<1024xi32, #tpu.memory_space<vmem>>, vector<16xi32>,
    %eq3A_59 = arith.constant 0 : i32
    %eq3A_60 = vector.broadcast %eq3A_59 : i32 to vector<16xi32>
    %eq3A_61 = arith.cmpi eq, %iota3A, %eq3A_60 : vector<16xi32>
    %jit3A_62 = arith.constant 0 : i32
    %broadcast_in_dim3A_63 = vector.broadcast %jit3A_62 : i32 to vector<16xi32>
    %select_n3A_64 = arith.select %eq3A_61, %broadcast_in_dim3A_63, %get3A_58 : vector<16xi1>, vector<16xi32>
    %swap3A = arith.constant 0 : index
    %swap3A_65 = tpu.vector_load %arg8[%swap3A] {strides = array<i32>} : memref<1024xi32, #tpu.memory_space<vmem>>, vector<16xi32>,
    tpu.vector_store %arg8[%swap3A], %select_n3A_64 {strides = array<i32>} : memref<1024xi32, #tpu.memory_space<vmem>>, vector<16xi32>,
    %add3A_66 = arith.constant 2 : i32
    %add3A_67 = arith.addi %mul3A_2, %add3A_66 : i32
    %dma_start3A_68 = arith.constant 0 : i32
    %dma_start3A_69 = tpu.memref_slice %arg2[%add3A_67, %dma_start3A_68] : memref<200x16384xi32, #tpu.memory_space<hbm>> -> memref<1x16384xi32, #tpu.memory_space<hbm>>
    %dma_start3A_70 = tpu.memref_squeeze %dma_start3A_69 : memref<1x16384xi32, #tpu.memory_space<hbm>> -> memref<16384xi32, #tpu.memory_space<hbm>>
    %dma_start3A_71 = arith.constant 0 : i32
    %dma_start3A_72 = tpu.memref_slice %arg2[%add3A_67, %dma_start3A_71] : memref<200x16384xi32, #tpu.memory_space<hbm>> -> memref<1x16384xi32, #tpu.memory_space<hbm>>
    %dma_start3A_73 = tpu.memref_squeeze %dma_start3A_72 : memref<1x16384xi32, #tpu.memory_space<hbm>> -> memref<16384xi32, #tpu.memory_space<hbm>>
    tpu.enqueue_dma source(%dma_start3A_73 : memref<16384xi32, #tpu.memory_space<hbm>>) target(%arg11 : memref<16384xi32, #tpu.memory_space<vmem>>) target_semaphore(%arg15 : memref<!tpu.dma_semaphore, #tpu.memory_space<semaphore_mem>>)
    %add3A_74 = arith.constant 0 : i32
    %add3A_75 = arith.addi %mul3A_2, %add3A_74 : i32
    %dma_wait3A = arith.constant 0 : i32
    %dma_wait3A_76 = tpu.memref_slice %arg2[%add3A_75, %dma_wait3A] : memref<200x16384xi32, #tpu.memory_space<hbm>> -> memref<1x16384xi32, #tpu.memory_space<hbm>>
    %dma_wait3A_77 = tpu.memref_squeeze %dma_wait3A_76 : memref<1x16384xi32, #tpu.memory_space<hbm>> -> memref<16384xi32, #tpu.memory_space<hbm>>
    %dma_wait3A_78 = arith.constant 0 : i32
    %dma_wait3A_79 = tpu.memref_slice %arg2[%add3A_75, %dma_wait3A_78] : memref<200x16384xi32, #tpu.memory_space<hbm>> -> memref<1x16384xi32, #tpu.memory_space<hbm>>
    %dma_wait3A_80 = tpu.memref_squeeze %dma_wait3A_79 : memref<1x16384xi32, #tpu.memory_space<hbm>> -> memref<16384xi32, #tpu.memory_space<hbm>>
    tpu.wait_dma2 semaphore(%arg13 : memref<!tpu.dma_semaphore, #tpu.memory_space<semaphore_mem>>) src(%dma_wait3A_80 : memref<16384xi32, #tpu.memory_space<hbm>>) dst(%arg9 : memref<16384xi32, #tpu.memory_space<vmem>>)
    %parallel_loop3A_81 = arith.constant 0 : i32
    %parallel_loop3A_82 = arith.constant 1024 : i32
    %parallel_loop3A_83 = arith.constant 1 : i32
    scf.for %parallel_loop3A_294 = %parallel_loop3A_81 to %parallel_loop3A_82 step %parallel_loop3A_83  : i32 {
      %parallel_loop3A_295 = arith.constant 16 : i32
      %parallel_loop3A_296 = arith.muli %parallel_loop3A_294, %parallel_loop3A_295 : i32
      %parallel_loop3A_297 = arith.index_cast %parallel_loop3A_296 : i32 to index
      %parallel_loop3A_298 = tpu.vector_load %arg9[%parallel_loop3A_297] {strides = array<i32>} : memref<16384xi32, #tpu.memory_space<vmem>>, vector<16xi32>,
      %parallel_loop3A_299 = tpu.vector_load_idx %arg8[%parallel_loop3A_298] : memref<1024xi32, #tpu.memory_space<vmem>>[vector<16xi32>], vector<16xi32>,
      %parallel_loop3A_300 = arith.constant 16 : i32
      %parallel_loop3A_301 = arith.muli %parallel_loop3A_294, %parallel_loop3A_300 : i32
      %parallel_loop3A_302 = arith.index_cast %parallel_loop3A_301 : i32 to index
      %parallel_loop3A_303 = tpu.vector_load %arg9[%parallel_loop3A_302] {strides = array<i32>} : memref<16384xi32, #tpu.memory_space<vmem>>, vector<16xi32>,
      tpu.vector_store %arg9[%parallel_loop3A_302], %parallel_loop3A_299 {strides = array<i32>} : memref<16384xi32, #tpu.memory_space<vmem>>, vector<16xi32>,
    } {sc.loop_unroll_factor = 8 : i64, sc.parallel_access}
    %add3A_84 = arith.constant 0 : i32
    %add3A_85 = arith.addi %mul3A_2, %add3A_84 : i32
    %dma_start3A_86 = arith.constant 0 : i32
    %dma_start3A_87 = tpu.memref_slice %arg5[%add3A_85, %dma_start3A_86] : memref<200x16384xi32, #tpu.memory_space<hbm>> -> memref<1x16384xi32, #tpu.memory_space<hbm>>
    %dma_start3A_88 = tpu.memref_squeeze %dma_start3A_87 : memref<1x16384xi32, #tpu.memory_space<hbm>> -> memref<16384xi32, #tpu.memory_space<hbm>>
    %dma_start3A_89 = arith.constant 0 : i32
    %dma_start3A_90 = tpu.memref_slice %arg5[%add3A_85, %dma_start3A_89] : memref<200x16384xi32, #tpu.memory_space<hbm>> -> memref<1x16384xi32, #tpu.memory_space<hbm>>
    %dma_start3A_91 = tpu.memref_squeeze %dma_start3A_90 : memref<1x16384xi32, #tpu.memory_space<hbm>> -> memref<16384xi32, #tpu.memory_space<hbm>>
    tpu.enqueue_dma source(%arg9 : memref<16384xi32, #tpu.memory_space<vmem>>) target(%dma_start3A_91 : memref<16384xi32, #tpu.memory_space<hbm>>) target_semaphore(%arg16 : memref<!tpu.dma_semaphore, #tpu.memory_space<semaphore_mem>>)
    %add3A_92 = arith.constant 3 : i32
    %add3A_93 = arith.addi %mul3A_2, %add3A_92 : i32
    %dma_start3A_94 = arith.constant 0 : i32
    %dma_start3A_95 = tpu.memref_slice %arg2[%add3A_93, %dma_start3A_94] : memref<200x16384xi32, #tpu.memory_space<hbm>> -> memref<1x16384xi32, #tpu.memory_space<hbm>>
    %dma_start3A_96 = tpu.memref_squeeze %dma_start3A_95 : memref<1x16384xi32, #tpu.memory_space<hbm>> -> memref<16384xi32, #tpu.memory_space<hbm>>
    %dma_start3A_97 = arith.constant 0 : i32
    %dma_start3A_98 = tpu.memref_slice %arg2[%add3A_93, %dma_start3A_97] : memref<200x16384xi32, #tpu.memory_space<hbm>> -> memref<1x16384xi32, #tpu.memory_space<hbm>>
    %dma_start3A_99 = tpu.memref_squeeze %dma_start3A_98 : memref<1x16384xi32, #tpu.memory_space<hbm>> -> memref<16384xi32, #tpu.memory_space<hbm>>
    tpu.enqueue_dma source(%dma_start3A_99 : memref<16384xi32, #tpu.memory_space<hbm>>) target(%arg12 : memref<16384xi32, #tpu.memory_space<vmem>>) target_semaphore(%arg13 : memref<!tpu.dma_semaphore, #tpu.memory_space<semaphore_mem>>)
    %add3A_100 = arith.constant 1 : i32
    %add3A_101 = arith.addi %mul3A_2, %add3A_100 : i32
    %dma_wait3A_102 = arith.constant 0 : i32
    %dma_wait3A_103 = tpu.memref_slice %arg2[%add3A_101, %dma_wait3A_102] : memref<200x16384xi32, #tpu.memory_space<hbm>> -> memref<1x16384xi32, #tpu.memory_space<hbm>>
    %dma_wait3A_104 = tpu.memref_squeeze %dma_wait3A_103 : memref<1x16384xi32, #tpu.memory_space<hbm>> -> memref<16384xi32, #tpu.memory_space<hbm>>
    %dma_wait3A_105 = arith.constant 0 : i32
    %dma_wait3A_106 = tpu.memref_slice %arg2[%add3A_101, %dma_wait3A_105] : memref<200x16384xi32, #tpu.memory_space<hbm>> -> memref<1x16384xi32, #tpu.memory_space<hbm>>
    %dma_wait3A_107 = tpu.memref_squeeze %dma_wait3A_106 : memref<1x16384xi32, #tpu.memory_space<hbm>> -> memref<16384xi32, #tpu.memory_space<hbm>>
    tpu.wait_dma2 semaphore(%arg14 : memref<!tpu.dma_semaphore, #tpu.memory_space<semaphore_mem>>) src(%dma_wait3A_107 : memref<16384xi32, #tpu.memory_space<hbm>>) dst(%arg10 : memref<16384xi32, #tpu.memory_space<vmem>>)
    %parallel_loop3A_108 = arith.constant 0 : i32
    %parallel_loop3A_109 = arith.constant 1024 : i32
    %parallel_loop3A_110 = arith.constant 1 : i32
    scf.for %parallel_loop3A_294 = %parallel_loop3A_108 to %parallel_loop3A_109 step %parallel_loop3A_110  : i32 {
      %parallel_loop3A_295 = arith.constant 16 : i32
      %parallel_loop3A_296 = arith.muli %parallel_loop3A_294, %parallel_loop3A_295 : i32
      %parallel_loop3A_297 = arith.index_cast %parallel_loop3A_296 : i32 to index
      %parallel_loop3A_298 = tpu.vector_load %arg10[%parallel_loop3A_297] {strides = array<i32>} : memref<16384xi32, #tpu.memory_space<vmem>>, vector<16xi32>,
      %parallel_loop3A_299 = tpu.vector_load_idx %arg8[%parallel_loop3A_298] : memref<1024xi32, #tpu.memory_space<vmem>>[vector<16xi32>], vector<16xi32>,
      %parallel_loop3A_300 = arith.constant 16 : i32
      %parallel_loop3A_301 = arith.muli %parallel_loop3A_294, %parallel_loop3A_300 : i32
      %parallel_loop3A_302 = arith.index_cast %parallel_loop3A_301 : i32 to index
      %parallel_loop3A_303 = tpu.vector_load %arg10[%parallel_loop3A_302] {strides = array<i32>} : memref<16384xi32, #tpu.memory_space<vmem>>, vector<16xi32>,
      tpu.vector_store %arg10[%parallel_loop3A_302], %parallel_loop3A_299 {strides = array<i32>} : memref<16384xi32, #tpu.memory_space<vmem>>, vector<16xi32>,
    } {sc.loop_unroll_factor = 8 : i64, sc.parallel_access}
    %add3A_111 = arith.constant 1 : i32
    %add3A_112 = arith.addi %mul3A_2, %add3A_111 : i32
    %dma_start3A_113 = arith.constant 0 : i32
    %dma_start3A_114 = tpu.memref_slice %arg5[%add3A_112, %dma_start3A_113] : memref<200x16384xi32, #tpu.memory_space<hbm>> -> memref<1x16384xi32, #tpu.memory_space<hbm>>
    %dma_start3A_115 = tpu.memref_squeeze %dma_start3A_114 : memref<1x16384xi32, #tpu.memory_space<hbm>> -> memref<16384xi32, #tpu.memory_space<hbm>>
    %dma_start3A_116 = arith.constant 0 : i32
    %dma_start3A_117 = tpu.memref_slice %arg5[%add3A_112, %dma_start3A_116] : memref<200x16384xi32, #tpu.memory_space<hbm>> -> memref<1x16384xi32, #tpu.memory_space<hbm>>
    %dma_start3A_118 = tpu.memref_squeeze %dma_start3A_117 : memref<1x16384xi32, #tpu.memory_space<hbm>> -> memref<16384xi32, #tpu.memory_space<hbm>>
    tpu.enqueue_dma source(%arg10 : memref<16384xi32, #tpu.memory_space<vmem>>) target(%dma_start3A_118 : memref<16384xi32, #tpu.memory_space<hbm>>) target_semaphore(%arg16 : memref<!tpu.dma_semaphore, #tpu.memory_space<semaphore_mem>>)
    %add3A_119 = arith.constant 0 : i32
    %add3A_120 = arith.addi %mul3A_2, %add3A_119 : i32
    %dma_wait3A_121 = arith.constant 0 : i32
    %dma_wait3A_122 = tpu.memref_slice %arg5[%add3A_120, %dma_wait3A_121] : memref<200x16384xi32, #tpu.memory_space<hbm>> -> memref<1x16384xi32, #tpu.memory_space<hbm>>
    %dma_wait3A_123 = tpu.memref_squeeze %dma_wait3A_122 : memref<1x16384xi32, #tpu.memory_space<hbm>> -> memref<16384xi32, #tpu.memory_space<hbm>>
    %dma_wait3A_124 = arith.constant 0 : i32
    %dma_wait3A_125 = tpu.memref_slice %arg5[%add3A_120, %dma_wait3A_124] : memref<200x16384xi32, #tpu.memory_space<hbm>> -> memref<1x16384xi32, #tpu.memory_space<hbm>>
    %dma_wait3A_126 = tpu.memref_squeeze %dma_wait3A_125 : memref<1x16384xi32, #tpu.memory_space<hbm>> -> memref<16384xi32, #tpu.memory_space<hbm>>
    tpu.wait_dma2 semaphore(%arg16 : memref<!tpu.dma_semaphore, #tpu.memory_space<semaphore_mem>>) src(%arg9 : memref<16384xi32, #tpu.memory_space<vmem>>) dst(%dma_wait3A_126 : memref<16384xi32, #tpu.memory_space<hbm>>)
    %add3A_127 = arith.constant 4 : i32
    %add3A_128 = arith.addi %mul3A_2, %add3A_127 : i32
    %dma_start3A_129 = arith.constant 0 : i32
    %dma_start3A_130 = tpu.memref_slice %arg2[%add3A_128, %dma_start3A_129] : memref<200x16384xi32, #tpu.memory_space<hbm>> -> memref<1x16384xi32, #tpu.memory_space<hbm>>
    %dma_start3A_131 = tpu.memref_squeeze %dma_start3A_130 : memref<1x16384xi32, #tpu.memory_space<hbm>> -> memref<16384xi32, #tpu.memory_space<hbm>>
    %dma_start3A_132 = arith.constant 0 : i32
    %dma_start3A_133 = tpu.memref_slice %arg2[%add3A_128, %dma_start3A_132] : memref<200x16384xi32, #tpu.memory_space<hbm>> -> memref<1x16384xi32, #tpu.memory_space<hbm>>
    %dma_start3A_134 = tpu.memref_squeeze %dma_start3A_133 : memref<1x16384xi32, #tpu.memory_space<hbm>> -> memref<16384xi32, #tpu.memory_space<hbm>>
    tpu.enqueue_dma source(%dma_start3A_134 : memref<16384xi32, #tpu.memory_space<hbm>>) target(%arg9 : memref<16384xi32, #tpu.memory_space<vmem>>) target_semaphore(%arg14 : memref<!tpu.dma_semaphore, #tpu.memory_space<semaphore_mem>>)
    %add3A_135 = arith.constant 2 : i32
    %add3A_136 = arith.addi %mul3A_2, %add3A_135 : i32
    %dma_wait3A_137 = arith.constant 0 : i32
    %dma_wait3A_138 = tpu.memref_slice %arg2[%add3A_136, %dma_wait3A_137] : memref<200x16384xi32, #tpu.memory_space<hbm>> -> memref<1x16384xi32, #tpu.memory_space<hbm>>
    %dma_wait3A_139 = tpu.memref_squeeze %dma_wait3A_138 : memref<1x16384xi32, #tpu.memory_space<hbm>> -> memref<16384xi32, #tpu.memory_space<hbm>>
    %dma_wait3A_140 = arith.constant 0 : i32
    %dma_wait3A_141 = tpu.memref_slice %arg2[%add3A_136, %dma_wait3A_140] : memref<200x16384xi32, #tpu.memory_space<hbm>> -> memref<1x16384xi32, #tpu.memory_space<hbm>>
    %dma_wait3A_142 = tpu.memref_squeeze %dma_wait3A_141 : memref<1x16384xi32, #tpu.memory_space<hbm>> -> memref<16384xi32, #tpu.memory_space<hbm>>
    tpu.wait_dma2 semaphore(%arg15 : memref<!tpu.dma_semaphore, #tpu.memory_space<semaphore_mem>>) src(%dma_wait3A_142 : memref<16384xi32, #tpu.memory_space<hbm>>) dst(%arg11 : memref<16384xi32, #tpu.memory_space<vmem>>)
    %parallel_loop3A_143 = arith.constant 0 : i32
    %parallel_loop3A_144 = arith.constant 1024 : i32
    %parallel_loop3A_145 = arith.constant 1 : i32
    scf.for %parallel_loop3A_294 = %parallel_loop3A_143 to %parallel_loop3A_144 step %parallel_loop3A_145  : i32 {
      %parallel_loop3A_295 = arith.constant 16 : i32
      %parallel_loop3A_296 = arith.muli %parallel_loop3A_294, %parallel_loop3A_295 : i32
      %parallel_loop3A_297 = arith.index_cast %parallel_loop3A_296 : i32 to index
      %parallel_loop3A_298 = tpu.vector_load %arg11[%parallel_loop3A_297] {strides = array<i32>} : memref<16384xi32, #tpu.memory_space<vmem>>, vector<16xi32>,
      %parallel_loop3A_299 = tpu.vector_load_idx %arg8[%parallel_loop3A_298] : memref<1024xi32, #tpu.memory_space<vmem>>[vector<16xi32>], vector<16xi32>,
      %parallel_loop3A_300 = arith.constant 16 : i32
      %parallel_loop3A_301 = arith.muli %parallel_loop3A_294, %parallel_loop3A_300 : i32
      %parallel_loop3A_302 = arith.index_cast %parallel_loop3A_301 : i32 to index
      %parallel_loop3A_303 = tpu.vector_load %arg11[%parallel_loop3A_302] {strides = array<i32>} : memref<16384xi32, #tpu.memory_space<vmem>>, vector<16xi32>,
      tpu.vector_store %arg11[%parallel_loop3A_302], %parallel_loop3A_299 {strides = array<i32>} : memref<16384xi32, #tpu.memory_space<vmem>>, vector<16xi32>,
    } {sc.loop_unroll_factor = 8 : i64, sc.parallel_access}
    %add3A_146 = arith.constant 2 : i32
    %add3A_147 = arith.addi %mul3A_2, %add3A_146 : i32
    %dma_start3A_148 = arith.constant 0 : i32
    %dma_start3A_149 = tpu.memref_slice %arg5[%add3A_147, %dma_start3A_148] : memref<200x16384xi32, #tpu.memory_space<hbm>> -> memref<1x16384xi32, #tpu.memory_space<hbm>>
    %dma_start3A_150 = tpu.memref_squeeze %dma_start3A_149 : memref<1x16384xi32, #tpu.memory_space<hbm>> -> memref<16384xi32, #tpu.memory_space<hbm>>
    %dma_start3A_151 = arith.constant 0 : i32
    %dma_start3A_152 = tpu.memref_slice %arg5[%add3A_147, %dma_start3A_151] : memref<200x16384xi32, #tpu.memory_space<hbm>> -> memref<1x16384xi32, #tpu.memory_space<hbm>>
    %dma_start3A_153 = tpu.memref_squeeze %dma_start3A_152 : memref<1x16384xi32, #tpu.memory_space<hbm>> -> memref<16384xi32, #tpu.memory_space<hbm>>
    tpu.enqueue_dma source(%arg11 : memref<16384xi32, #tpu.memory_space<vmem>>) target(%dma_start3A_153 : memref<16384xi32, #tpu.memory_space<hbm>>) target_semaphore(%arg16 : memref<!tpu.dma_semaphore, #tpu.memory_space<semaphore_mem>>)
    %add3A_154 = arith.constant 1 : i32
    %add3A_155 = arith.addi %mul3A_2, %add3A_154 : i32
    %dma_wait3A_156 = arith.constant 0 : i32
    %dma_wait3A_157 = tpu.memref_slice %arg5[%add3A_155, %dma_wait3A_156] : memref<200x16384xi32, #tpu.memory_space<hbm>> -> memref<1x16384xi32, #tpu.memory_space<hbm>>
    %dma_wait3A_158 = tpu.memref_squeeze %dma_wait3A_157 : memref<1x16384xi32, #tpu.memory_space<hbm>> -> memref<16384xi32, #tpu.memory_space<hbm>>
    %dma_wait3A_159 = arith.constant 0 : i32
    %dma_wait3A_160 = tpu.memref_slice %arg5[%add3A_155, %dma_wait3A_159] : memref<200x16384xi32, #tpu.memory_space<hbm>> -> memref<1x16384xi32, #tpu.memory_space<hbm>>
    %dma_wait3A_161 = tpu.memref_squeeze %dma_wait3A_160 : memref<1x16384xi32, #tpu.memory_space<hbm>> -> memref<16384xi32, #tpu.memory_space<hbm>>
    tpu.wait_dma2 semaphore(%arg16 : memref<!tpu.dma_semaphore, #tpu.memory_space<semaphore_mem>>) src(%arg10 : memref<16384xi32, #tpu.memory_space<vmem>>) dst(%dma_wait3A_161 : memref<16384xi32, #tpu.memory_space<hbm>>)
    %add3A_162 = arith.constant 5 : i32
    %add3A_163 = arith.addi %mul3A_2, %add3A_162 : i32
    %dma_start3A_164 = arith.constant 0 : i32
    %dma_start3A_165 = tpu.memref_slice %arg2[%add3A_163, %dma_start3A_164] : memref<200x16384xi32, #tpu.memory_space<hbm>> -> memref<1x16384xi32, #tpu.memory_space<hbm>>
    %dma_start3A_166 = tpu.memref_squeeze %dma_start3A_165 : memref<1x16384xi32, #tpu.memory_space<hbm>> -> memref<16384xi32, #tpu.memory_space<hbm>>
    %dma_start3A_167 = arith.constant 0 : i32
    %dma_start3A_168 = tpu.memref_slice %arg2[%add3A_163, %dma_start3A_167] : memref<200x16384xi32, #tpu.memory_space<hbm>> -> memref<1x16384xi32, #tpu.memory_space<hbm>>
    %dma_start3A_169 = tpu.memref_squeeze %dma_start3A_168 : memref<1x16384xi32, #tpu.memory_space<hbm>> -> memref<16384xi32, #tpu.memory_space<hbm>>
    tpu.enqueue_dma source(%dma_start3A_169 : memref<16384xi32, #tpu.memory_space<hbm>>) target(%arg10 : memref<16384xi32, #tpu.memory_space<vmem>>) target_semaphore(%arg15 : memref<!tpu.dma_semaphore, #tpu.memory_space<semaphore_mem>>)
    %add3A_170 = arith.constant 3 : i32
    %add3A_171 = arith.addi %mul3A_2, %add3A_170 : i32
    %dma_wait3A_172 = arith.constant 0 : i32
    %dma_wait3A_173 = tpu.memref_slice %arg2[%add3A_171, %dma_wait3A_172] : memref<200x16384xi32, #tpu.memory_space<hbm>> -> memref<1x16384xi32, #tpu.memory_space<hbm>>
    %dma_wait3A_174 = tpu.memref_squeeze %dma_wait3A_173 : memref<1x16384xi32, #tpu.memory_space<hbm>> -> memref<16384xi32, #tpu.memory_space<hbm>>
    %dma_wait3A_175 = arith.constant 0 : i32
    %dma_wait3A_176 = tpu.memref_slice %arg2[%add3A_171, %dma_wait3A_175] : memref<200x16384xi32, #tpu.memory_space<hbm>> -> memref<1x16384xi32, #tpu.memory_space<hbm>>
    %dma_wait3A_177 = tpu.memref_squeeze %dma_wait3A_176 : memref<1x16384xi32, #tpu.memory_space<hbm>> -> memref<16384xi32, #tpu.memory_space<hbm>>
    tpu.wait_dma2 semaphore(%arg13 : memref<!tpu.dma_semaphore, #tpu.memory_space<semaphore_mem>>) src(%dma_wait3A_177 : memref<16384xi32, #tpu.memory_space<hbm>>) dst(%arg12 : memref<16384xi32, #tpu.memory_space<vmem>>)
    %parallel_loop3A_178 = arith.constant 0 : i32
    %parallel_loop3A_179 = arith.constant 1024 : i32
    %parallel_loop3A_180 = arith.constant 1 : i32
    scf.for %parallel_loop3A_294 = %parallel_loop3A_178 to %parallel_loop3A_179 step %parallel_loop3A_180  : i32 {
      %parallel_loop3A_295 = arith.constant 16 : i32
      %parallel_loop3A_296 = arith.muli %parallel_loop3A_294, %parallel_loop3A_295 : i32
      %parallel_loop3A_297 = arith.index_cast %parallel_loop3A_296 : i32 to index
      %parallel_loop3A_298 = tpu.vector_load %arg12[%parallel_loop3A_297] {strides = array<i32>} : memref<16384xi32, #tpu.memory_space<vmem>>, vector<16xi32>,
      %parallel_loop3A_299 = tpu.vector_load_idx %arg8[%parallel_loop3A_298] : memref<1024xi32, #tpu.memory_space<vmem>>[vector<16xi32>], vector<16xi32>,
      %parallel_loop3A_300 = arith.constant 16 : i32
      %parallel_loop3A_301 = arith.muli %parallel_loop3A_294, %parallel_loop3A_300 : i32
      %parallel_loop3A_302 = arith.index_cast %parallel_loop3A_301 : i32 to index
      %parallel_loop3A_303 = tpu.vector_load %arg12[%parallel_loop3A_302] {strides = array<i32>} : memref<16384xi32, #tpu.memory_space<vmem>>, vector<16xi32>,
      tpu.vector_store %arg12[%parallel_loop3A_302], %parallel_loop3A_299 {strides = array<i32>} : memref<16384xi32, #tpu.memory_space<vmem>>, vector<16xi32>,
    } {sc.loop_unroll_factor = 8 : i64, sc.parallel_access}
    %add3A_181 = arith.constant 3 : i32
    %add3A_182 = arith.addi %mul3A_2, %add3A_181 : i32
    %dma_start3A_183 = arith.constant 0 : i32
    %dma_start3A_184 = tpu.memref_slice %arg5[%add3A_182, %dma_start3A_183] : memref<200x16384xi32, #tpu.memory_space<hbm>> -> memref<1x16384xi32, #tpu.memory_space<hbm>>
    %dma_start3A_185 = tpu.memref_squeeze %dma_start3A_184 : memref<1x16384xi32, #tpu.memory_space<hbm>> -> memref<16384xi32, #tpu.memory_space<hbm>>
    %dma_start3A_186 = arith.constant 0 : i32
    %dma_start3A_187 = tpu.memref_slice %arg5[%add3A_182, %dma_start3A_186] : memref<200x16384xi32, #tpu.memory_space<hbm>> -> memref<1x16384xi32, #tpu.memory_space<hbm>>
    %dma_start3A_188 = tpu.memref_squeeze %dma_start3A_187 : memref<1x16384xi32, #tpu.memory_space<hbm>> -> memref<16384xi32, #tpu.memory_space<hbm>>
    tpu.enqueue_dma source(%arg12 : memref<16384xi32, #tpu.memory_space<vmem>>) target(%dma_start3A_188 : memref<16384xi32, #tpu.memory_space<hbm>>) target_semaphore(%arg16 : memref<!tpu.dma_semaphore, #tpu.memory_space<semaphore_mem>>)
    %add3A_189 = arith.constant 2 : i32
    %add3A_190 = arith.addi %mul3A_2, %add3A_189 : i32
    %dma_wait3A_191 = arith.constant 0 : i32
    %dma_wait3A_192 = tpu.memref_slice %arg5[%add3A_190, %dma_wait3A_191] : memref<200x16384xi32, #tpu.memory_space<hbm>> -> memref<1x16384xi32, #tpu.memory_space<hbm>>
    %dma_wait3A_193 = tpu.memref_squeeze %dma_wait3A_192 : memref<1x16384xi32, #tpu.memory_space<hbm>> -> memref<16384xi32, #tpu.memory_space<hbm>>
    %dma_wait3A_194 = arith.constant 0 : i32
    %dma_wait3A_195 = tpu.memref_slice %arg5[%add3A_190, %dma_wait3A_194] : memref<200x16384xi32, #tpu.memory_space<hbm>> -> memref<1x16384xi32, #tpu.memory_space<hbm>>
    %dma_wait3A_196 = tpu.memref_squeeze %dma_wait3A_195 : memref<1x16384xi32, #tpu.memory_space<hbm>> -> memref<16384xi32, #tpu.memory_space<hbm>>
    tpu.wait_dma2 semaphore(%arg16 : memref<!tpu.dma_semaphore, #tpu.memory_space<semaphore_mem>>) src(%arg11 : memref<16384xi32, #tpu.memory_space<vmem>>) dst(%dma_wait3A_196 : memref<16384xi32, #tpu.memory_space<hbm>>)
    %dma_start3A_197 = arith.constant 0 : i32
    %dma_start3A_198 = tpu.memref_slice %arg11[%dma_start3A_197] : memref<16384xi32, #tpu.memory_space<vmem>> -> memref<4096xi32, #tpu.memory_space<vmem>>
    %dma_start3A_199 = tpu.memref_slice %arg2[%add3A_20, %mul3A_36] : memref<200x16384xi32, #tpu.memory_space<hbm>> -> memref<1x4096xi32, #tpu.memory_space<hbm>>
    %dma_start3A_200 = tpu.memref_squeeze %dma_start3A_199 : memref<1x4096xi32, #tpu.memory_space<hbm>> -> memref<4096xi32, #tpu.memory_space<hbm>>
    %dma_start3A_201 = arith.constant 0 : i32
    %dma_start3A_202 = tpu.memref_slice %arg11[%dma_start3A_201] : memref<16384xi32, #tpu.memory_space<vmem>> -> memref<4096xi32, #tpu.memory_space<vmem>>
    %dma_start3A_203 = tpu.memref_slice %arg2[%add3A_20, %mul3A_36] : memref<200x16384xi32, #tpu.memory_space<hbm>> -> memref<1x4096xi32, #tpu.memory_space<hbm>>
    %dma_start3A_204 = tpu.memref_squeeze %dma_start3A_203 : memref<1x4096xi32, #tpu.memory_space<hbm>> -> memref<4096xi32, #tpu.memory_space<hbm>>
    tpu.enqueue_dma source(%dma_start3A_204 : memref<4096xi32, #tpu.memory_space<hbm>>) target(%dma_start3A_202 : memref<4096xi32, #tpu.memory_space<vmem>>) target_semaphore(%arg13 : memref<!tpu.dma_semaphore, #tpu.memory_space<semaphore_mem>>)
    %add3A_205 = arith.constant 4 : i32
    %add3A_206 = arith.addi %mul3A_2, %add3A_205 : i32
    %dma_wait3A_207 = arith.constant 0 : i32
    %dma_wait3A_208 = tpu.memref_slice %arg2[%add3A_206, %dma_wait3A_207] : memref<200x16384xi32, #tpu.memory_space<hbm>> -> memref<1x16384xi32, #tpu.memory_space<hbm>>
    %dma_wait3A_209 = tpu.memref_squeeze %dma_wait3A_208 : memref<1x16384xi32, #tpu.memory_space<hbm>> -> memref<16384xi32, #tpu.memory_space<hbm>>
    %dma_wait3A_210 = arith.constant 0 : i32
    %dma_wait3A_211 = tpu.memref_slice %arg2[%add3A_206, %dma_wait3A_210] : memref<200x16384xi32, #tpu.memory_space<hbm>> -> memref<1x16384xi32, #tpu.memory_space<hbm>>
    %dma_wait3A_212 = tpu.memref_squeeze %dma_wait3A_211 : memref<1x16384xi32, #tpu.memory_space<hbm>> -> memref<16384xi32, #tpu.memory_space<hbm>>
    tpu.wait_dma2 semaphore(%arg14 : memref<!tpu.dma_semaphore, #tpu.memory_space<semaphore_mem>>) src(%dma_wait3A_212 : memref<16384xi32, #tpu.memory_space<hbm>>) dst(%arg9 : memref<16384xi32, #tpu.memory_space<vmem>>)
    %parallel_loop3A_213 = arith.constant 0 : i32
    %parallel_loop3A_214 = arith.constant 1024 : i32
    %parallel_loop3A_215 = arith.constant 1 : i32
    scf.for %parallel_loop3A_294 = %parallel_loop3A_213 to %parallel_loop3A_214 step %parallel_loop3A_215  : i32 {
      %parallel_loop3A_295 = arith.constant 16 : i32
      %parallel_loop3A_296 = arith.muli %parallel_loop3A_294, %parallel_loop3A_295 : i32
      %parallel_loop3A_297 = arith.index_cast %parallel_loop3A_296 : i32 to index
      %parallel_loop3A_298 = tpu.vector_load %arg9[%parallel_loop3A_297] {strides = array<i32>} : memref<16384xi32, #tpu.memory_space<vmem>>, vector<16xi32>,
      %parallel_loop3A_299 = tpu.vector_load_idx %arg8[%parallel_loop3A_298] : memref<1024xi32, #tpu.memory_space<vmem>>[vector<16xi32>], vector<16xi32>,
      %parallel_loop3A_300 = arith.constant 16 : i32
      %parallel_loop3A_301 = arith.muli %parallel_loop3A_294, %parallel_loop3A_300 : i32
      %parallel_loop3A_302 = arith.index_cast %parallel_loop3A_301 : i32 to index
      %parallel_loop3A_303 = tpu.vector_load %arg9[%parallel_loop3A_302] {strides = array<i32>} : memref<16384xi32, #tpu.memory_space<vmem>>, vector<16xi32>,
      tpu.vector_store %arg9[%parallel_loop3A_302], %parallel_loop3A_299 {strides = array<i32>} : memref<16384xi32, #tpu.memory_space<vmem>>, vector<16xi32>,
    } {sc.loop_unroll_factor = 8 : i64, sc.parallel_access}
    %add3A_216 = arith.constant 4 : i32
    %add3A_217 = arith.addi %mul3A_2, %add3A_216 : i32
    %dma_start3A_218 = arith.constant 0 : i32
    %dma_start3A_219 = tpu.memref_slice %arg5[%add3A_217, %dma_start3A_218] : memref<200x16384xi32, #tpu.memory_space<hbm>> -> memref<1x16384xi32, #tpu.memory_space<hbm>>
    %dma_start3A_220 = tpu.memref_squeeze %dma_start3A_219 : memref<1x16384xi32, #tpu.memory_space<hbm>> -> memref<16384xi32, #tpu.memory_space<hbm>>
    %dma_start3A_221 = arith.constant 0 : i32
    %dma_start3A_222 = tpu.memref_slice %arg5[%add3A_217, %dma_start3A_221] : memref<200x16384xi32, #tpu.memory_space<hbm>> -> memref<1x16384xi32, #tpu.memory_space<hbm>>
    %dma_start3A_223 = tpu.memref_squeeze %dma_start3A_222 : memref<1x16384xi32, #tpu.memory_space<hbm>> -> memref<16384xi32, #tpu.memory_space<hbm>>
    tpu.enqueue_dma source(%arg9 : memref<16384xi32, #tpu.memory_space<vmem>>) target(%dma_start3A_223 : memref<16384xi32, #tpu.memory_space<hbm>>) target_semaphore(%arg16 : memref<!tpu.dma_semaphore, #tpu.memory_space<semaphore_mem>>)
    %add3A_224 = arith.constant 5 : i32
    %add3A_225 = arith.addi %mul3A_2, %add3A_224 : i32
    %dma_wait3A_226 = arith.constant 0 : i32
    %dma_wait3A_227 = tpu.memref_slice %arg2[%add3A_225, %dma_wait3A_226] : memref<200x16384xi32, #tpu.memory_space<hbm>> -> memref<1x16384xi32, #tpu.memory_space<hbm>>
    %dma_wait3A_228 = tpu.memref_squeeze %dma_wait3A_227 : memref<1x16384xi32, #tpu.memory_space<hbm>> -> memref<16384xi32, #tpu.memory_space<hbm>>
    %dma_wait3A_229 = arith.constant 0 : i32
    %dma_wait3A_230 = tpu.memref_slice %arg2[%add3A_225, %dma_wait3A_229] : memref<200x16384xi32, #tpu.memory_space<hbm>> -> memref<1x16384xi32, #tpu.memory_space<hbm>>
    %dma_wait3A_231 = tpu.memref_squeeze %dma_wait3A_230 : memref<1x16384xi32, #tpu.memory_space<hbm>> -> memref<16384xi32, #tpu.memory_space<hbm>>
    tpu.wait_dma2 semaphore(%arg15 : memref<!tpu.dma_semaphore, #tpu.memory_space<semaphore_mem>>) src(%dma_wait3A_231 : memref<16384xi32, #tpu.memory_space<hbm>>) dst(%arg10 : memref<16384xi32, #tpu.memory_space<vmem>>)
    %parallel_loop3A_232 = arith.constant 0 : i32
    %parallel_loop3A_233 = arith.constant 1024 : i32
    %parallel_loop3A_234 = arith.constant 1 : i32
    scf.for %parallel_loop3A_294 = %parallel_loop3A_232 to %parallel_loop3A_233 step %parallel_loop3A_234  : i32 {
      %parallel_loop3A_295 = arith.constant 16 : i32
      %parallel_loop3A_296 = arith.muli %parallel_loop3A_294, %parallel_loop3A_295 : i32
      %parallel_loop3A_297 = arith.index_cast %parallel_loop3A_296 : i32 to index
      %parallel_loop3A_298 = tpu.vector_load %arg10[%parallel_loop3A_297] {strides = array<i32>} : memref<16384xi32, #tpu.memory_space<vmem>>, vector<16xi32>,
      %parallel_loop3A_299 = tpu.vector_load_idx %arg8[%parallel_loop3A_298] : memref<1024xi32, #tpu.memory_space<vmem>>[vector<16xi32>], vector<16xi32>,
      %parallel_loop3A_300 = arith.constant 16 : i32
      %parallel_loop3A_301 = arith.muli %parallel_loop3A_294, %parallel_loop3A_300 : i32
      %parallel_loop3A_302 = arith.index_cast %parallel_loop3A_301 : i32 to index
      %parallel_loop3A_303 = tpu.vector_load %arg10[%parallel_loop3A_302] {strides = array<i32>} : memref<16384xi32, #tpu.memory_space<vmem>>, vector<16xi32>,
      tpu.vector_store %arg10[%parallel_loop3A_302], %parallel_loop3A_299 {strides = array<i32>} : memref<16384xi32, #tpu.memory_space<vmem>>, vector<16xi32>,
    } {sc.loop_unroll_factor = 8 : i64, sc.parallel_access}
    %add3A_235 = arith.constant 5 : i32
    %add3A_236 = arith.addi %mul3A_2, %add3A_235 : i32
    %dma_start3A_237 = arith.constant 0 : i32
    %dma_start3A_238 = tpu.memref_slice %arg5[%add3A_236, %dma_start3A_237] : memref<200x16384xi32, #tpu.memory_space<hbm>> -> memref<1x16384xi32, #tpu.memory_space<hbm>>
    %dma_start3A_239 = tpu.memref_squeeze %dma_start3A_238 : memref<1x16384xi32, #tpu.memory_space<hbm>> -> memref<16384xi32, #tpu.memory_space<hbm>>
    %dma_start3A_240 = arith.constant 0 : i32
    %dma_start3A_241 = tpu.memref_slice %arg5[%add3A_236, %dma_start3A_240] : memref<200x16384xi32, #tpu.memory_space<hbm>> -> memref<1x16384xi32, #tpu.memory_space<hbm>>
    %dma_start3A_242 = tpu.memref_squeeze %dma_start3A_241 : memref<1x16384xi32, #tpu.memory_space<hbm>> -> memref<16384xi32, #tpu.memory_space<hbm>>
    tpu.enqueue_dma source(%arg10 : memref<16384xi32, #tpu.memory_space<vmem>>) target(%dma_start3A_242 : memref<16384xi32, #tpu.memory_space<hbm>>) target_semaphore(%arg16 : memref<!tpu.dma_semaphore, #tpu.memory_space<semaphore_mem>>)
    %dma_wait3A_243 = arith.constant 0 : i32
    %dma_wait3A_244 = tpu.memref_slice %arg11[%dma_wait3A_243] : memref<16384xi32, #tpu.memory_space<vmem>> -> memref<4096xi32, #tpu.memory_space<vmem>>
    %dma_wait3A_245 = tpu.memref_slice %arg2[%add3A_20, %mul3A_36] : memref<200x16384xi32, #tpu.memory_space<hbm>> -> memref<1x4096xi32, #tpu.memory_space<hbm>>
    %dma_wait3A_246 = tpu.memref_squeeze %dma_wait3A_245 : memref<1x4096xi32, #tpu.memory_space<hbm>> -> memref<4096xi32, #tpu.memory_space<hbm>>
    %dma_wait3A_247 = arith.constant 0 : i32
    %dma_wait3A_248 = tpu.memref_slice %arg11[%dma_wait3A_247] : memref<16384xi32, #tpu.memory_space<vmem>> -> memref<4096xi32, #tpu.memory_space<vmem>>
    %dma_wait3A_249 = tpu.memref_slice %arg2[%add3A_20, %mul3A_36] : memref<200x16384xi32, #tpu.memory_space<hbm>> -> memref<1x4096xi32, #tpu.memory_space<hbm>>
    %dma_wait3A_250 = tpu.memref_squeeze %dma_wait3A_249 : memref<1x4096xi32, #tpu.memory_space<hbm>> -> memref<4096xi32, #tpu.memory_space<hbm>>
    tpu.wait_dma2 semaphore(%arg13 : memref<!tpu.dma_semaphore, #tpu.memory_space<semaphore_mem>>) src(%dma_wait3A_250 : memref<4096xi32, #tpu.memory_space<hbm>>) dst(%dma_wait3A_248 : memref<4096xi32, #tpu.memory_space<vmem>>)
    %parallel_loop3A_251 = arith.constant 0 : i32
    %parallel_loop3A_252 = arith.constant 256 : i32
    %parallel_loop3A_253 = arith.constant 1 : i32
    scf.for %parallel_loop3A_294 = %parallel_loop3A_251 to %parallel_loop3A_252 step %parallel_loop3A_253  : i32 {
      %parallel_loop3A_295 = arith.constant 16 : i32
      %parallel_loop3A_296 = arith.muli %parallel_loop3A_294, %parallel_loop3A_295 : i32
      %parallel_loop3A_297 = arith.index_cast %parallel_loop3A_296 : i32 to index
      %parallel_loop3A_298 = tpu.vector_load %arg11[%parallel_loop3A_297] {strides = array<i32>} : memref<16384xi32, #tpu.memory_space<vmem>>, vector<16xi32>,
      %parallel_loop3A_299 = tpu.vector_load_idx %arg8[%parallel_loop3A_298] : memref<1024xi32, #tpu.memory_space<vmem>>[vector<16xi32>], vector<16xi32>,
      %parallel_loop3A_300 = arith.constant 16 : i32
      %parallel_loop3A_301 = arith.muli %parallel_loop3A_294, %parallel_loop3A_300 : i32
      %parallel_loop3A_302 = arith.index_cast %parallel_loop3A_301 : i32 to index
      %parallel_loop3A_303 = tpu.vector_load %arg11[%parallel_loop3A_302] {strides = array<i32>} : memref<16384xi32, #tpu.memory_space<vmem>>, vector<16xi32>,
      tpu.vector_store %arg11[%parallel_loop3A_302], %parallel_loop3A_299 {strides = array<i32>} : memref<16384xi32, #tpu.memory_space<vmem>>, vector<16xi32>,
    } {sc.loop_unroll_factor = 8 : i64, sc.parallel_access}
    %dma_start3A_254 = arith.constant 0 : i32
    %dma_start3A_255 = tpu.memref_slice %arg11[%dma_start3A_254] : memref<16384xi32, #tpu.memory_space<vmem>> -> memref<4096xi32, #tpu.memory_space<vmem>>
    %dma_start3A_256 = tpu.memref_slice %arg5[%add3A_20, %mul3A_36] : memref<200x16384xi32, #tpu.memory_space<hbm>> -> memref<1x4096xi32, #tpu.memory_space<hbm>>
    %dma_start3A_257 = tpu.memref_squeeze %dma_start3A_256 : memref<1x4096xi32, #tpu.memory_space<hbm>> -> memref<4096xi32, #tpu.memory_space<hbm>>
    %dma_start3A_258 = tpu.memref_slice %arg5[%add3A_20, %mul3A_36] : memref<200x16384xi32, #tpu.memory_space<hbm>> -> memref<1x4096xi32, #tpu.memory_space<hbm>>
    %dma_start3A_259 = tpu.memref_squeeze %dma_start3A_258 : memref<1x4096xi32, #tpu.memory_space<hbm>> -> memref<4096xi32, #tpu.memory_space<hbm>>
    %dma_start3A_260 = arith.constant 0 : i32
    %dma_start3A_261 = tpu.memref_slice %arg11[%dma_start3A_260] : memref<16384xi32, #tpu.memory_space<vmem>> -> memref<4096xi32, #tpu.memory_space<vmem>>
    tpu.enqueue_dma source(%dma_start3A_261 : memref<4096xi32, #tpu.memory_space<vmem>>) target(%dma_start3A_259 : memref<4096xi32, #tpu.memory_space<hbm>>) target_semaphore(%arg16 : memref<!tpu.dma_semaphore, #tpu.memory_space<semaphore_mem>>)
    %add3A_262 = arith.constant 3 : i32
    %add3A_263 = arith.addi %mul3A_2, %add3A_262 : i32
    %dma_wait3A_264 = arith.constant 0 : i32
    %dma_wait3A_265 = tpu.memref_slice %arg5[%add3A_263, %dma_wait3A_264] : memref<200x16384xi32, #tpu.memory_space<hbm>> -> memref<1x16384xi32, #tpu.memory_space<hbm>>
    %dma_wait3A_266 = tpu.memref_squeeze %dma_wait3A_265 : memref<1x16384xi32, #tpu.memory_space<hbm>> -> memref<16384xi32, #tpu.memory_space<hbm>>
    %dma_wait3A_267 = arith.constant 0 : i32
    %dma_wait3A_268 = tpu.memref_slice %arg5[%add3A_263, %dma_wait3A_267] : memref<200x16384xi32, #tpu.memory_space<hbm>> -> memref<1x16384xi32, #tpu.memory_space<hbm>>
    %dma_wait3A_269 = tpu.memref_squeeze %dma_wait3A_268 : memref<1x16384xi32, #tpu.memory_space<hbm>> -> memref<16384xi32, #tpu.memory_space<hbm>>
    tpu.wait_dma2 semaphore(%arg16 : memref<!tpu.dma_semaphore, #tpu.memory_space<semaphore_mem>>) src(%arg12 : memref<16384xi32, #tpu.memory_space<vmem>>) dst(%dma_wait3A_269 : memref<16384xi32, #tpu.memory_space<hbm>>)
    %add3A_270 = arith.constant 4 : i32
    %add3A_271 = arith.addi %mul3A_2, %add3A_270 : i32
    %dma_wait3A_272 = arith.constant 0 : i32
    %dma_wait3A_273 = tpu.memref_slice %arg5[%add3A_271, %dma_wait3A_272] : memref<200x16384xi32, #tpu.memory_space<hbm>> -> memref<1x16384xi32, #tpu.memory_space<hbm>>
    %dma_wait3A_274 = tpu.memref_squeeze %dma_wait3A_273 : memref<1x16384xi32, #tpu.memory_space<hbm>> -> memref<16384xi32, #tpu.memory_space<hbm>>
    %dma_wait3A_275 = arith.constant 0 : i32
    %dma_wait3A_276 = tpu.memref_slice %arg5[%add3A_271, %dma_wait3A_275] : memref<200x16384xi32, #tpu.memory_space<hbm>> -> memref<1x16384xi32, #tpu.memory_space<hbm>>
    %dma_wait3A_277 = tpu.memref_squeeze %dma_wait3A_276 : memref<1x16384xi32, #tpu.memory_space<hbm>> -> memref<16384xi32, #tpu.memory_space<hbm>>
    tpu.wait_dma2 semaphore(%arg16 : memref<!tpu.dma_semaphore, #tpu.memory_space<semaphore_mem>>) src(%arg9 : memref<16384xi32, #tpu.memory_space<vmem>>) dst(%dma_wait3A_277 : memref<16384xi32, #tpu.memory_space<hbm>>)
    %add3A_278 = arith.constant 5 : i32
    %add3A_279 = arith.addi %mul3A_2, %add3A_278 : i32
    %dma_wait3A_280 = arith.constant 0 : i32
    %dma_wait3A_281 = tpu.memref_slice %arg5[%add3A_279, %dma_wait3A_280] : memref<200x16384xi32, #tpu.memory_space<hbm>> -> memref<1x16384xi32, #tpu.memory_space<hbm>>
    %dma_wait3A_282 = tpu.memref_squeeze %dma_wait3A_281 : memref<1x16384xi32, #tpu.memory_space<hbm>> -> memref<16384xi32, #tpu.memory_space<hbm>>
    %dma_wait3A_283 = arith.constant 0 : i32
    %dma_wait3A_284 = tpu.memref_slice %arg5[%add3A_279, %dma_wait3A_283] : memref<200x16384xi32, #tpu.memory_space<hbm>> -> memref<1x16384xi32, #tpu.memory_space<hbm>>
    %dma_wait3A_285 = tpu.memref_squeeze %dma_wait3A_284 : memref<1x16384xi32, #tpu.memory_space<hbm>> -> memref<16384xi32, #tpu.memory_space<hbm>>
    tpu.wait_dma2 semaphore(%arg16 : memref<!tpu.dma_semaphore, #tpu.memory_space<semaphore_mem>>) src(%arg10 : memref<16384xi32, #tpu.memory_space<vmem>>) dst(%dma_wait3A_285 : memref<16384xi32, #tpu.memory_space<hbm>>)
    %dma_wait3A_286 = arith.constant 0 : i32
    %dma_wait3A_287 = tpu.memref_slice %arg11[%dma_wait3A_286] : memref<16384xi32, #tpu.memory_space<vmem>> -> memref<4096xi32, #tpu.memory_space<vmem>>
    %dma_wait3A_288 = tpu.memref_slice %arg5[%add3A_20, %mul3A_36] : memref<200x16384xi32, #tpu.memory_space<hbm>> -> memref<1x4096xi32, #tpu.memory_space<hbm>>
    %dma_wait3A_289 = tpu.memref_squeeze %dma_wait3A_288 : memref<1x4096xi32, #tpu.memory_space<hbm>> -> memref<4096xi32, #tpu.memory_space<hbm>>
    %dma_wait3A_290 = tpu.memref_slice %arg5[%add3A_20, %mul3A_36] : memref<200x16384xi32, #tpu.memory_space<hbm>> -> memref<1x4096xi32, #tpu.memory_space<hbm>>
    %dma_wait3A_291 = tpu.memref_squeeze %dma_wait3A_290 : memref<1x4096xi32, #tpu.memory_space<hbm>> -> memref<4096xi32, #tpu.memory_space<hbm>>
    %dma_wait3A_292 = arith.constant 0 : i32
    %dma_wait3A_293 = tpu.memref_slice %arg11[%dma_wait3A_292] : memref<16384xi32, #tpu.memory_space<vmem>> -> memref<4096xi32, #tpu.memory_space<vmem>>
    tpu.wait_dma2 semaphore(%arg16 : memref<!tpu.dma_semaphore, #tpu.memory_space<semaphore_mem>>) src(%dma_wait3A_293 : memref<4096xi32, #tpu.memory_space<vmem>>) dst(%dma_wait3A_291 : memref<4096xi32, #tpu.memory_space<hbm>>)
    return
  }
}

</mosaic_0001>

<sc_bundles>
// kernel: kernel.3.cloned.1.call-start
scs
__scs_entry_jumppad:
0x0: {  	(pc) =	sbr.rel $0x88, $3  }
0x1: {  	(tag) =	ssettag $0x0;
	lr =	simm.s32 $0x1  }
0x2: {  	[smem:$0x3F9E] =	sst lr;
	_ =	strace $0xD0000000  }
0x3: {  	_ = 	snop  }
0x4: {  	_ = 	snop  }
0x5: {  	_ = 	snop  }
0x6: {  	_ = 	snop  }
0x7: {  	_ = 	snop  }
__scs_overlays_trampoline_lowered:
0x8: {  	[smem:$0x3FAD] =	sst s0  }
0x9: {  	[smem:$0x3FAE] =	sst s1  }
0xa: {  	[smem:$0x3FAF] =	sst s2  }
0xb: {  	[smem:$0x3FB0] =	sst s3  }
0xc: {  	[smem:$0x3FB1] =	sst s4  }
0xd: {  	[smem:$0x3FB2] =	sst s5  }
0xe: {  	[smem:$0x3FB3] =	sst s6  }
0xf: {  	[smem:$0x3FB4] =	sst s7  }
0x10: {  	[smem:$0x3FB5] =	sst s8  }
0x11: {  	[smem:$0x3FB6] =	sst s9;
	s0 =	simm.s32 @!p0 $0x0  }
0x12: {  	s1 =	sld [smem:$0x3F9C];
	s0 =	simm.s32 @p0 $0x1  }
0x13: {  	[smem:$0x3FB7] =	sst s0;
	s0 =	simm.s32 @!p1 $0x0  }
0x14: {  	s2 =	sld [smem:$0x3F9B];
	s0 =	simm.s32 @p1 $0x1  }
0x15: {  	[smem:$0x3FB8] =	sst s0;
	s0 =	simm.s32 @!p2 $0x0  }
0x16: {  	s3 =	sld [smem:$0x3FDB];
	s0 =	simm.s32 @p2 $0x1  }
0x17: {  	s4 =	simm.s32 $0x1BF5;
	[smem:$0x3FBA] =	sst s0  }
0x18: {  	s0 =	sld [smem:$0x3F9D];
	_ =	swait.ge [sflag:s4], $0x0  }
0x19: {  	s7 =	sld [smem:$0x3F9E]  }
0x1a: {  	s8 =	sadd.s32 $0xFFFFE003, lr  }
0x1b: {  	s9 =	sadd.s32 $0xFFFFFEF7, lr;
	s5 =	simm.s32 $0xFFFFFFFF;
	p2 =	slt.u32 s8, $0xFFFFF086  }
0x1c: {  	p1 =	slt.u32 s9, $0xF7A;
	s5 =	simm.s32 @!p2 $0x0  }
0x1d: {  	s5 =	simm.s32 @p1 $0x1;
	p0 =	seq.s32 s7, s2  }
0x1e: {  	s7 =	smul.u32 @!p0 $0xF7A, s2;
	p2 =	seq.s32 @!p0 s5, $0x0  }
0x1f: {  	s9 =	smul.u32 $0xF7A, s1;
	s8 =	simm.s32 @!p0 $0x1BF5;
	p2 =	por !p2, p0  }
0x20: {  	[sflag:s8] =	ssyncset.s32 @!p0 $0xFFFFF086;
	s6 =	sadd.s32 @!p0 s3, s7;
	s7 =	simm.s32 @!p0 $0x108  }
0x21: {  	s3 =	sadd.s32 s3, s9;
	s6 =	sadd.s32 @!p0 $0x88, s6;
	s7 =	simm.s32 @p2 $0x1082  }
0x22: {  	[simem:s7], [sflag:s8] =	dma.local @!p0 [hbm:s6], $0xF7A  }
0x23: {  	s9 =	sor.u32 $0xD0000000, s2;
	s6 =	simm.s32 $0x108;
	_ =	swait.ge @!p0 [sflag:s8], $0x0  }
0x24: {  	s3 =	sadd.s32 $0x88, s3;
	s6 =	simm.s32 @!p1 $0x1082;
	[sflag:s4] =	ssyncset.s32 $0xFFFFF086  }
0x25: {  	[simem:s6], [sflag:s4] =	dma.local [hbm:s3], $0xF7A  }
0x26: {  	[smem:$0x3F9E] =	sst s1;
	(tag) =	ssettag s2;
	_ =	strace s9  }
0x27: {  	s1 =	sld [smem:$0x3FAE]  }
0x28: {  	s2 =	sld [smem:$0x3FAF]  }
0x29: {  	s4 =	sld [smem:$0x3FB1]  }
0x2a: {  	p0 =	seq.s32 s5, $0x0;
	s5 =	sld [smem:$0x3FB2]  }
0x2b: {  	s6 =	sld [smem:$0x3FB3]  }
0x2c: {  	s7 =	sld [smem:$0x3FB4]  }
0x2d: {  	s3 =	simm.s32 $0x108;
	s8 =	sld [smem:$0x3FB5]  }
0x2e: {  	s3 =	simm.s32 @!p0 $0x1082;
	s9 =	sld [smem:$0x3FB6]  }
0x2f: {  	lr =	sadd.s32 s0, s3;
	s0 =	sld [smem:$0x3FAD]  }
0x30: {  	s3 =	sld [smem:$0x3FB0]  }
0x31: {  	[smem:$0x3FB9] =	sst s10  }
0x32: {  	s10 =	sld [smem:$0x3FB7];
	_ =	sdelay $0x3  }
0x33: {  	p0 =	seq.s32 s10, $0x1;
	s10 =	sld [smem:$0x3FB9];
	_ =	sdelay $0x3  }
0x34: {  	[smem:$0x3FB9] =	sst s10  }
0x35: {  	s10 =	sld [smem:$0x3FB8];
	_ =	sdelay $0x3  }
0x36: {  	p1 =	seq.s32 s10, $0x1;
	s10 =	sld [smem:$0x3FB9];
	_ =	sdelay $0x3  }
0x37: {  	[smem:$0x3FB9] =	sst s10  }
0x38: {  	s10 =	sld [smem:$0x3FBA]  }
0x39: {  	_ = 	snop;
	(pc) =	sbr.ind lr, $3  }
0x3a: {  	_ = 	snop  }
0x3b: {  	_ = 	snop  }
0x3c: {  	p2 =	seq.s32 s10, $0x1;
	s10 =	sld [smem:$0x3FB9]  }
0x3d: {  	_ =	shalt  }
0x3e: {  	_ =	shalt  }
0x3f: {  	_ =	shalt  }
0x40: {  	_ =	shalt  }
0x41: {  	_ =	shalt  }
0x42: {  	_ =	shalt  }
0x43: {  	_ =	shalt  }
0x44: {  	_ =	shalt  }
0x45: {  	_ =	shalt  }
0x46: {  	_ =	shalt  }
0x47: {  	_ =	shalt  }
0x48: {  	_ =	shalt  }
0x49: {  	_ =	shalt  }
0x4a: {  	_ =	shalt  }
0x4b: {  	_ =	shalt  }
0x4c: {  	_ =	shalt  }
0x4d: {  	_ =	shalt  }
0x4e: {  	_ =	shalt  }
0x4f: {  	_ =	shalt  }
0x50: {  	_ =	shalt  }
0x51: {  	_ =	shalt  }
0x52: {  	_ =	shalt  }
0x53: {  	_ =	shalt  }
0x54: {  	_ =	shalt  }
0x55: {  	_ =	shalt  }
0x56: {  	_ =	shalt  }
0x57: {  	_ =	shalt  }
0x58: {  	_ =	shalt  }
0x59: {  	_ =	shalt  }
0x5a: {  	_ =	shalt  }
0x5b: {  	_ =	shalt  }
0x5c: {  	_ =	shalt  }
0x5d: {  	_ =	shalt  }
0x5e: {  	_ =	shalt  }
0x5f: {  	_ =	shalt  }
0x60: {  	_ =	shalt  }
0x61: {  	_ =	shalt  }
0x62: {  	_ =	shalt  }
0x63: {  	_ =	shalt  }
0x64: {  	_ =	shalt  }
0x65: {  	_ =	shalt  }
0x66: {  	_ =	shalt  }
0x67: {  	_ =	shalt  }
0x68: {  	_ =	shalt  }
0x69: {  	_ =	shalt  }
0x6a: {  	_ =	shalt  }
0x6b: {  	_ =	shalt  }
0x6c: {  	_ =	shalt  }
0x6d: {  	_ =	shalt  }
0x6e: {  	_ =	shalt  }
0x6f: {  	_ =	shalt  }
0x70: {  	_ =	shalt  }
0x71: {  	_ =	shalt  }
0x72: {  	_ =	shalt  }
0x73: {  	_ =	shalt  }
0x74: {  	_ =	shalt  }
0x75: {  	_ =	shalt  }
0x76: {  	_ =	shalt  }
0x77: {  	_ =	shalt  }
0x78: {  	_ =	shalt  }
0x79: {  	_ =	shalt  }
0x7a: {  	_ =	shalt  }
0x7b: {  	_ =	shalt  }
0x7c: {  	_ =	shalt  }
0x7d: {  	_ =	shalt  }
0x7e: {  	_ =	shalt  }
0x7f: {  	_ =	shalt  }
0x80: {  	_ =	shalt  }
0x81: {  	_ =	shalt  }
0x82: {  	_ =	shalt  }
0x83: {  	_ =	shalt  }
0x84: {  	_ =	shalt  }
0x85: {  	_ =	shalt  }
0x86: {  	_ =	shalt  }
0x87: {  	_ =	shalt  }
.Lfunc_end0:
.L_simem_size_0:
called_computation_lowered:
.L_overlay_start_0:
0x88: {  	s2 =	sld [smem:$0x3FD9]  }
0x89: {  	s3 =	sld [smem:$0x3FFE];
	_ =	sdelay $0x1  }
0x8a: {  	s1 =	srdreg.scid  }
0x8b: {  	s0 =	sand.u32 $0x1, s1  }
0x8c: {  	s18 =	sshll.u32 s0, $0xA;
	s2 =	sadd.s32 s3, s2  }
0x8d: {  	s2 =	sadd.s32 s2, s18  }
0x8e: {  	[smem:$0x3FC5] =	sst s2  }
0x8f: {  	_ = 	snop  }
0x90: {  	s2 =	sld [smem:$0x3FC9]  }
0x91: {  	s19 =	sld [smem:$0x3FC8]  }
0x92: {  	s4 =	sld [smem:$0x3FC7]  }
0x93: {  	s5 =	sld [smem:$0x3FD0];
	(tm) =	ssettm $0x1  }
0x94: {  	s6 =	sld [smem:$0x3FFB];
	_ =	sdelay $0x3  }
0x95: {  	_ =	strace s6  }
0x96: {  	s6 =	sld [smem:$0x3FFC];
	_ =	sdelay $0x3  }
0x97: {  	_ =	strace s6  }
0x98: {  	s6 =	sld [smem:$0x3FFD];
	_ =	sdelay $0x3  }
0x99: {  	_ =	strace s6  }
0x9a: {  	_ =	strace $0x8FFFFFFF  }
0x9b: {  	s20 =	sld [smem:$0x3FDB];
	_ =	sdelay $0x1  }
0x9c: {  	s7 =	simm.s32 $_scs_section_size  }
0x9d: {  	s8 =	simm.s32 $_size__tile_overlayer_lowered;
	s9 =	simm.s32 $_tile_overlayer_lowered  }
0x9e: {  	s23 =	simm.s32 $0x1BFF;
	s22 =	sshll.u32 s9, $0x1;
	s6 =	sadd.s32 s7, s20  }
0x9f: {  	s10 =	simm.s32 $0x0;
	s21 =	sshll.u32 s8, $0x1;
	s8 =	sadd.s32 s22, s6  }
0xa0: {  	[timem:s10], [sflag:s23] =	dma.local [hbm:s8], s21  }
0xa1: {  	_ =	swait.ge [sflag:s23], s21  }
0xa2: {  	s7 =	ssub.s32 $0x0, s21;
	[sflag:s23] =	ssyncset.done $0x0  }
0xa3: {  	[sflag:s23] =	ssyncadd.s32 s7;
	_ =	sdelay $0x1  }
0xa4: {  	s24 =	simm.s32 $0x1B8B  }
0xa5: {  	_ =	swait.ge [sflag:s24], $0x1  }
0xa6: {  	[sflag:s24] =	ssyncset.done $0x0  }
0xa7: {  	s25 =	simm.s32 $0x1B8E;
	[sflag:s24] =	ssyncadd.s32 $0xFFFFFFFF  }
0xa8: {  	s26 =	simm.s32 $execute0_lowered;
	[smem:$0x3FD2] =	sst s25  }
0xa9: {  	s7 =	sshll.u32 s26, $0x1;
	_ =	strace $0x80000046;
	[dreg:$0x1] =	wrdreg $0xFFFFFFFF  }
0xaa: {  	s28 =	simm.s32 $_size_execute0_lowered;
	s6 =	sadd.s32 s6, s7;
	[dreg:$0x0] =	wrdreg $0x0  }
0xab: {  	s7 =	sshll.u32 s28, $0x1;
	[dreg:$0x2] =	wrdreg s6  }
0xac: {  	[dreg:$0x3] =	wrdreg s7  }
0xad: {  	[dreg:$0x4] =	wrdreg $0xC0  }
0xae: {  	_ =	task [dreg:s10], $0x5FFFF  }
0xaf: {  	[dreg:$0x1] =	wrdreg $0xFFFFFFFF  }
0xb0: {  	[dreg:$0x0] =	wrdreg $0x60  }
0xb1: {  	[dreg:$0x2] =	wrdreg s2  }
0xb2: {  	[dreg:$0x3] =	wrdreg s19  }
0xb3: {  	[dreg:$0x4] =	wrdreg s4  }
0xb4: {  	[dreg:$0x5] =	wrdreg s5  }
0xb5: {  	[dreg:$0x6] =	wrdreg $0x9  }
0xb6: {  	_ =	task.clear_ibuf [dreg:s10], $0x7FFFF;
	_ =	strace $0x90000046  }
0xb7: {  	s29 =	simm.s32 $0x9;
	_ =	strace $0x80000048  }
0xb8: {  	_ =	swait.ge [sflag:s29], $0x1  }
0xb9: {  	[sflag:s29] =	ssyncadd.s32 $0xFFFFFFFF  }
0xba: {  	_ =	strace $0x90000048  }
0xbb: {  	_ =	sfence  }
0xbc: {  	s30 =	sld [smem:$0x0];
	_ =	sdelay $0x2  }
0xbd: {  	s31 =	sshll.u32 s1, $0xD;
	s1 =	sshrl.u32 s1, $0x2  }
0xbe: {  	s3 =	sand.u32 $0x4000, s31;
	s1 =	sadd.s32 s1, s30  }
0xbf: {  	s0 =	sor.u32 s3, s0;
	s1 =	sshll.u32 s1, $0x11  }
0xc0: {  	s0 =	sor.u32 s1, s0  }
0xc1: {  	s0 =	sadd.s32 $0x8F2B, s0  }
0xc2: {  	[sflag:s0] =	ssyncadd.remote.s32 $0x1  }
0xc3: {  	_ =	sfence.sel $0xFFFF  }
0xc4: {  	[dreg:$0x0] =	wrdreg $0xFFFFFFFF;
	(pc) =	sbr.abs _section_cstart, $3  }
0xc5: {  	[dreg:$0x1] =	wrdreg $0xFFFFFFFF  }
0xc6: {  	_ =	task.clear_ibuf [dreg:s10], $0x2FFFF;
	_ =	strace $0x9FFFFFFF  }
0xc7: {  	(tm) =	ssettm $0x7FFFFFFF  }
tec
execute0_lowered:
.L_overlay_start_1:
0x0: {  	(tag) =	ssettag $0x1  }
0x1: {  	s0 =	rddreg [dreg:$0x0]  }
0x2: {  	s1 =	srdreg.scid;
	s11 =	stileid.u32  }
0x3: {  	s3 =	rddreg [dreg:$0x3];
	s6 =	simm.s32 $0x0;
	s28 =	simm.s32 $0x1  }
0x4: {  	s29 =	simm.s32 $0xCC00;
	s1 =	sand.u32 $0x1, s1;
	s2 =	sshll.u32 s11, $0x1  }
0x5: {  	s30 =	simm.s32 $0x2;
	s31 =	simm.s32 $0x4;
	s2 =	sor.u32 s1, s2  }
0x6: {  	[smem:$0x7FF] =	sst s6;
	s12 =	sshll.u32 s11, $0x3;
	s4 =	smul.u32 $0x18000, s2  }
0x7: {  	s1 =	ssub.s32 $0x2, s1;
	_ =	strace $0x80000047;
	s5 =	smul.u32 $0x300, s2  }
0x8: {  	s15 =	smul.u32 $0x6, s2;
	s7 =	sshrl.u32 s1, $0x1;
	s2 =	sshll.u32 s2, $0xC  }
0x9: {  	s1 =	ssub.s32 s1, s7;
	s2 =	sor.u32 s2, s12;
	s4 =	sor.u32 s5, s4  }
0xa: {  	s16 =	sadd.s32 $0x2, s15;
	s20 =	sadd.s32 $0x3, s15;
	s23 =	sadd.s32 $0x4, s15  }
0xb: {  	s6 =	sadd.s32 $0x5, s15;
	s2 =	sand.u32 $0x3070, s2;
	s4 =	sand.u32 $0x3E0300, s4  }
0xc: {  	s17 =	sshll.u32 s16, $0xB;
	s5 =	sshll.u32 s16, $0x4;
	s21 =	sshll.u32 s20, $0xB  }
0xd: {  	s7 =	sshll.u32 s20, $0x4;
	s10 =	sshll.u32 s23, $0xB;
	s25 =	sshll.u32 s6, $0xB  }
0xe: {  	s6 =	sshll.u32 s6, $0x4;
	s2 =	sor.u32 $0x60000, s2;
	s20 =	simm.s32 $0x80  }
0xf: {  	s4 =	sshrl.u32 s4, $0x3;
	s5 =	sor.u32 s5, s17;
	s22 =	sor.u32 s7, s21  }
0x10: {  	s7 =	sshll.u32 s23, $0x4;
	s6 =	sor.u32 s6, s25;
	s15 =	sadd.s32 s0, s2  }
0x11: {  	s21 =	simm.s32 $0x400;
	s23 =	simm.s32 $0x4C00;
	s25 =	simm.s32 $0x800  }
0x12: {  	s8 =	sadd.s32 s0, s4;
	s18 =	sor.u32 $0x10, s4;
	s5 =	sand.u32 $0xFFFC060, s5  }
0x13: {  	s4 =	sadd.s32 s3, s4;
	s7 =	sor.u32 s7, s10;
	s26 =	sand.u32 $0xFFFC070, s6  }
0x14: {  	[dreg:$0x5] =	wrdreg s8;
	s19 =	sadd.s32 s0, s18;
	s9 =	sadd.s32 s0, s5  }
0x15: {  	[dreg:$0x8] =	wrdreg s4;
	s4 =	sand.u32 $0xFFFC070, s22;
	s10 =	sadd.s32 s3, s18  }
0x16: {  	s7 =	sand.u32 $0xFFFC060, s7;
	s12 =	sadd.s32 s3, s5;
	s13 =	sadd.s32 s0, s26  }
0x17: {  	s17 =	sadd.s32 s3, s26;
	s18 =	sadd.s32 s3, s2;
	s22 =	simm.s32 $0xC00  }
0x18: {  	v0 =	vlaneseq.u32;
	s26 =	simm.s32 $0x8C00;
	s2 =	simm.s32 $0x3;
	[dreg:$0x6] =	wrdreg s19  }
0x19: {  	v2 =	vmul.u32 $0xFFFFFFFF, v0;
	[dreg:$0x7] =	wrdreg s9;
	s24 =	sadd.s32 s0, s4;
	s11 =	sadd.s32 s0, s7  }
0x1a: {  	s14 =	sadd.s32 s3, s4;
	s16 =	sadd.s32 s3, s7;
	s19 =	smax.u32 s1, $0x1  }
0x1b: {  	v1 =	vimm.s32 $0x1;
	v2 =	vadd.s32 $0x3E8, v2;
	s0 =	simm.s32 $0x0;
	[dreg:$0x9] =	wrdreg s24;
	s24 =	simm.s32 $0x5  }
.LBB2_1:
0x1c: {  	s1 =	rddreg [dreg:$0x5]  }
0x1d: {  	[tilespmem:s22], [sflag:$0x1] =	stream.strided.gather [hbm4b:s1+s20], $0x4000, s21, s20, $0x38;
	[tilespmem:$0x10C00] =	vst v63  }
0x1e: {  	s7 =	rddreg [dreg:$0x6]  }
0x1f: {  	[tilespmem:s23], [sflag:$0x2] =	stream.strided.gather [hbm4b:s7+s20], $0x4000, s21, s20, $0x38;
	[tilespmem:$0x10C00] =	vst v63  }
0x20: {  	s8 =	rddreg [dreg:$0x1];
	s3 =	simm.s32 $0x0  }
0x21: {  	[tilespmem:s3], [sflag:$0x5] =	stream.linear.gather [hbm4b:s8+s3], $0x3E8, $0x38;
	[tilespmem:$0x10C00] =	vst v63  }
0x22: {  	_ =	swait.ge [sflag:s24], $0x3E8  }
0x23: {  	[sflag:s24] =	ssyncset.done $0x0  }
0x24: {  	[sflag:s24] =	ssyncadd.s32 $0xFFFFFC18  }
0x25: {  	s9 =	rddreg [dreg:$0x2]  }
0x26: {  	[tilespmem:s21], [sflag:$0x5] =	stream.linear.gather [hbm4b:s9+s3], $0x3E8, $0x38;
	[tilespmem:$0x10C00] =	vst v63  }
0x27: {  	_ =	swait.ge [sflag:s24], $0x3E8  }
0x28: {  	[sflag:s24] =	ssyncset.done $0x0  }
0x29: {  	s4 =	simm.s32 $0x820;
	[sflag:s24] =	ssyncadd.s32 $0xFFFFFC18  }
0x2a: {  	[tilespmem:s4+$0xFFFFFFE0] =	vst v1  }
0x2b: {  	[tilespmem:s4+$0x10] =	vst v1  }
0x2c: {  	s5 =	simm.s32 $0x0;
	s1 =	simm.s32 $0x420;
	s3 =	simm.s32 $0x20;
	[tilespmem:s4+$0x0] =	vst v1  }
.LBB2_2:
0x2d: {  	s5 =	sadd.s32 $0x4, s5  }
0x2e: {  	[tilespmem:s4+$0xFFFFFFF0] =	vst v1;
	s4 =	sadd.s32 $0x40, s4;
	p0 =	slt.u32 s5, $0x3C  }
.Ltmp0:
0x2f: {  	[tilespmem:s4+$0xFFFFFFE0] =	vst v1;
	(pc) =	sbr.rel @p0 .LBB2_2-.Ltmp0, $3  }
0x30: {  	_ =	sdelay $0x1  }
0x31: {  	[tilespmem:s4+$0x10] =	vst v1  }
0x32: {  	[tilespmem:s4+$0x0] =	vst v1  }
0x33: {  	[tilespmem:s4+$0xFFFFFFF0] =	vst v1  }
0x34: {  	v16 =	vld [tilespmem:s1+$0xFFFFFFE0]  }
0x35: {  	v17 =	vld [tilespmem:s3+$0xFFFFFFE0]  }
0x36: {  	v4 =	vld [tilespmem:s3+$0x10]  }
0x37: {  	v3 =	vld [tilespmem:s3+$0x0]  }
0x38: {  	v6 =	vld [tilespmem:s3+$0xFFFFFFF0]  }
0x39: {  	v5 =	vld [tilespmem:s1+$0x0]  }
0x3a: {  	s5 =	simm.s32 $0x0;
	v8 =	vld [tilespmem:s1+$0xFFFFFFF0]  }
0x3b: {  	s9 =	simm.s32 $0x460;
	v7 =	vmov s5;
	v13 =	vld [tilespmem:s1+$0x10]  }
0x3c: {  	s6 =	simm.s32 $0x10;
	s8 =	simm.s32 $0x30;
	s1 =	simm.s32 $0x60;
	vm0 =	vlt.u32 v7, v2;
	v7 =	vld [tilespmem:s9+$0xFFFFFFE0];
	vm1 =	vlt.u32 v17, $0x400  }
0x3d: {  	s7 =	simm.s32 $0x20;
	v11 =	vmov s6;
	v15 =	vmov s8;
	v10 =	vld [tilespmem:s1+$0xFFFFFFE0];
	vm2 =	vmand vm0, vm1  }
0x3e: {  	v14 =	vmov s7;
	v9 =	vld [tilespmem:s1+$0x10];
	vm5 =	vlt.u32 v15, v2;
	vm3 =	vlt.u32 v4, $0x400  }
0x3f: {  	v12 =	vld [tilespmem:s1+$0xFFFFFFF0];
	vm0 =	vlt.u32 v11, v2;
	vm1 =	vlt.u32 v6, $0x400;
	vm3 =	vmand vm5, vm3  }
0x40: {  	s3 =	simm.s32 $0x40;
	vm4 =	vlt.u32 v3, $0x400;
	v11 =	vld [tilespmem:s1+$0x0];
	vm0 =	vmand vm0, vm1;
	vm1 =	vlt.u32 v14, v2  }
0x41: {  	v15 =	vmov s3;
	v14 =	vld [tilespmem:s9+$0x0];
	vm1 =	vmand vm1, vm4  }
0x42: {  	s4 =	simm.s32 $0x4;
	s5 =	simm.s32 $0x4A0;
	vm6 =	vlt.u32 v10, $0x400;
	vm4 =	vlt.u32 v15, v2;
	v15 =	vld [tilespmem:s9+$0xFFFFFFF0]  }
0x43: {  	s6 =	simm.s32 $0x50;
	s7 =	simm.s32 $0x60;
	s8 =	simm.s32 $0x70;
	[tilespmem:v17+s25+$0x0] =	vst.idx.msk vm2, v16;
	vm2 =	vmand vm4, vm6;
	v16 =	vld [tilespmem:s9+$0x10];
	vm4 =	vlt.u32 v9, $0x400  }
.LBB2_4:
0x44: {  	v17 =	vld [tilespmem:s5+$0xFFFFFFE0];
	s4 =	sadd.s32 $0x4, s4;
	v18 =	vmov s6;
	v19 =	vmov s7;
	v20 =	vmov s8;
	s1 =	sadd.s32 $0x40, s1;
	s9 =	smov.u32 s5  }
0x45: {  	vm7 =	vlt.u32 v11, $0x400;
	v21 =	vld [tilespmem:s1+$0xFFFFFFE0];
	p0 =	slt.u32 s4, $0x3C;
	vm5 =	vlt.u32 v18, v2;
	vm6 =	vlt.u32 v12, $0x400;
	[tilespmem:v4+s25+$0x0] =	vst.idx.msk vm3, v13;
	v4 =	vmovc v9  }
0x46: {  	vm8 =	vlt.u32 v19, v2;
	vm3 =	vlt.u32 v20, v2;
	v9 =	vld [tilespmem:s1+$0x10];
	[tilespmem:v6+s25+$0x0] =	vst.idx.msk vm0, v8;
	vm0 =	vmand vm5, vm6  }
.Ltmp1:
0x47: {  	vm3 =	vmand vm3, vm4;
	v6 =	vmovc v12;
	[tilespmem:v3+s25+$0x0] =	vst.idx.msk vm1, v5;
	vm1 =	vmand vm8, vm7;
	v3 =	vmovc v11;
	v11 =	vld [tilespmem:s1+$0x0];
	v5 =	vmov v14;
	(pc) =	sbr.rel @p0 .LBB2_4-.Ltmp1, $4  }
0x48: {  	s3 =	sadd.s32 $0x40, s3;
	v8 =	vmov v15;
	v12 =	vld [tilespmem:s1+$0xFFFFFFF0];
	v13 =	vmov v16  }
0x49: {  	v15 =	vmov s3;
	v14 =	vld [tilespmem:s5+$0x0];
	[tilespmem:v10+s25+$0x0] =	vst.idx.msk vm2, v7;
	v7 =	vmov v17  }
0x4a: {  	vm2 =	vlt.u32 v15, v2;
	s5 =	sadd.s32 $0x40, s5;
	vm4 =	vlt.u32 v21, $0x400;
	v15 =	vld [tilespmem:s9+$0xFFFFFFF0];
	v10 =	vmov v21  }
0x4b: {  	s6 =	sadd.s32 $0x10, s3;
	s7 =	sadd.s32 $0x20, s3;
	s8 =	sadd.s32 $0x30, s3;
	vm2 =	vmand vm2, vm4;
	v16 =	vld [tilespmem:s9+$0x10];
	vm4 =	vlt.u32 v9, $0x400  }
0x4c: {  	_ = 	snop  }
0x4d: {  	v17 =	vmov s8  }
0x4e: {  	v18 =	vmov s6;
	v19 =	vmov s7;
	vm5 =	vlt.u32 v17, v2  }
0x4f: {  	vm6 =	vlt.u32 v18, v2;
	vm7 =	vlt.u32 v12, $0x400;
	vm4 =	vmand vm5, vm4  }
0x50: {  	vm12 =	vlt.u32 v11, $0x400;
	vm13 =	vlt.u32 v19, v2;
	vm6 =	vmand vm6, vm7  }
0x51: {  	[tilespmem:v4+s25+$0x0] =	vst.idx.msk vm3, v13;
	vm14 =	vmand vm13, vm12  }
0x52: {  	[tilespmem:v6+s25+$0x0] =	vst.idx.msk vm0, v8  }
0x53: {  	[tilespmem:v3+s25+$0x0] =	vst.idx.msk vm1, v5  }
0x54: {  	[tilespmem:v10+s25+$0x0] =	vst.idx.msk vm2, v7  }
0x55: {  	[tilespmem:v9+s25+$0x0] =	vst.idx.msk vm4, v16  }
0x56: {  	[tilespmem:v12+s25+$0x0] =	vst.idx.msk vm6, v15  }
0x57: {  	[tilespmem:v11+s25+$0x0] =	vst.idx.msk vm14, v14  }
0x58: {  	v3 =	vld [tilespmem:$0x800];
	_ =	sdelay $0x3  }
0x59: {  	vm15 =	veq.s32 v0, $0x0  }
0x5a: {  	v3 =	vsel vm15, $0x0, v3  }
0x5b: {  	s1 =	rddreg [dreg:$0x7];
	[tilespmem:$0x800] =	vst v3  }
0x5c: {  	[tilespmem:s26], [sflag:$0x3] =	stream.strided.gather [hbm4b:s1+s20], $0x4000, s21, s20, $0x38;
	[tilespmem:$0x10C00] =	vst v63  }
0x5d: {  	_ =	swait.ge [sflag:s28], $0x4000  }
0x5e: {  	[sflag:s28] =	ssyncset.done $0x0  }
0x5f: {  	s1 =	simm.s32 $0xC40;
	[sflag:s28] =	ssyncadd.s32 $0xFFFFC000  }
0x60: {  	v3 =	vld [tilespmem:s1+$0x30]  }
0x61: {  	v4 =	vld [tilespmem:s1+$0xFFFFFFD0]  }
0x62: {  	v5 =	vld [tilespmem:s1+$0xFFFFFFE0]  }
0x63: {  	v6 =	vld [tilespmem:s1+$0xFFFFFFF0]  }
0x64: {  	v9 =	vld [tilespmem:s1+$0x0]  }
0x65: {  	v10 =	vld [tilespmem:s1+$0x10]  }
0x66: {  	v11 =	vld [tilespmem:s1+$0x20]  }
0x67: {  	v61 =	vld [tilespmem:s1+$0xFFFFFFC0]  }
0x68: {  	v62 =	vld.idx.msk [tilespmem:v3+s25+$0x0], $0xffff  }
0x69: {  	v63 =	vld.idx.msk [tilespmem:v4+s25+$0x0], $0xffff  }
0x6a: {  	v8 =	vld.idx.msk [tilespmem:v5+s25+$0x0], $0xffff  }
0x6b: {  	v7 =	vld.idx.msk [tilespmem:v6+s25+$0x0], $0xffff  }
0x6c: {  	v5 =	vld.idx.msk [tilespmem:v9+s25+$0x0], $0xffff  }
0x6d: {  	v4 =	vld.idx.msk [tilespmem:v10+s25+$0x0], $0xffff  }
0x6e: {  	v3 =	vld.idx.msk [tilespmem:v11+s25+$0x0], $0xffff;
	[tilespmem:s1+$0x30] =	vst v62  }
0x6f: {  	s3 =	simm.s32 $0x0;
	s4 =	simm.s32 $0xCC0;
	v6 =	vld.idx.msk [tilespmem:v61+s25+$0x0], $0xffff;
	[tilespmem:s1+$0xFFFFFFD0] =	vst v63  }
.LBB2_6:
0x70: {  	v9 =	vld [tilespmem:s4+$0x30];
	s3 =	sadd.s32 $0x8, s3;
	[tilespmem:s1+$0xFFFFFFE0] =	vst v8  }
0x71: {  	v8 =	vld [tilespmem:s4+$0xFFFFFFD0];
	p0 =	slt.u32 s3, $0x3F8;
	[tilespmem:s1+$0xFFFFFFF0] =	vst v7  }
0x72: {  	v7 =	vld [tilespmem:s4+$0xFFFFFFE0];
	[tilespmem:s1+$0x0] =	vst v5  }
0x73: {  	v5 =	vld [tilespmem:s4+$0xFFFFFFF0];
	[tilespmem:s1+$0x10] =	vst v4  }
0x74: {  	v4 =	vld [tilespmem:s4+$0x0];
	[tilespmem:s1+$0x20] =	vst v3  }
0x75: {  	v3 =	vld [tilespmem:s4+$0x10];
	[tilespmem:s1+$0xFFFFFFC0] =	vst v6;
	s1 =	smov.u32 s4  }
0x76: {  	v6 =	vld [tilespmem:s4+$0x20]  }
0x77: {  	v10 =	vld [tilespmem:s4+$0xFFFFFFC0]  }
0x78: {  	v9 =	vld.idx.msk [tilespmem:v9+s25+$0x0], $0xffff  }
0x79: {  	v11 =	vld.idx.msk [tilespmem:v8+s25+$0x0], $0xffff  }
0x7a: {  	v8 =	vld.idx.msk [tilespmem:v7+s25+$0x0], $0xffff  }
.Ltmp2:
0x7b: {  	v7 =	vld.idx.msk [tilespmem:v5+s25+$0x0], $0xffff;
	(pc) =	sbr.rel @p0 .LBB2_6-.Ltmp2, $4  }
0x7c: {  	v5 =	vld.idx.msk [tilespmem:v4+s25+$0x0], $0xffff  }
0x7d: {  	v4 =	vld.idx.msk [tilespmem:v3+s25+$0x0], $0xffff  }
0x7e: {  	v3 =	vld.idx.msk [tilespmem:v6+s25+$0x0], $0xffff;
	[tilespmem:s4+$0x30] =	vst v9  }
0x7f: {  	s4 =	sadd.s32 $0x80, s4;
	v6 =	vld.idx.msk [tilespmem:v10+s25+$0x0], $0xffff;
	[tilespmem:s1+$0xFFFFFFD0] =	vst v11  }
0x80: {  	[tilespmem:s1+$0xFFFFFFE0] =	vst v8  }
0x81: {  	[tilespmem:s1+$0xFFFFFFF0] =	vst v7  }
0x82: {  	[tilespmem:s1+$0x0] =	vst v5  }
0x83: {  	[tilespmem:s1+$0x10] =	vst v4  }
0x84: {  	[tilespmem:s1+$0x20] =	vst v3  }
0x85: {  	[tilespmem:s1+$0xFFFFFFC0] =	vst v6  }
0x86: {  	s1 =	rddreg [dreg:$0x8]  }
0x87: {  	[hbm4b:s1+s20] =	stream.strided.scatter [tilespmem:s22], [sflag:$0x4], $0x4000, s21, s20, $0x38;
	[tilespmem:$0x10C00] =	vst v63  }
0x88: {  	s9 =	rddreg [dreg:$0x9]  }
0x89: {  	[tilespmem:s29], [sflag:$0x1] =	stream.strided.gather [hbm4b:s9+s20], $0x4000, s21, s20, $0x38;
	[tilespmem:$0x10C00] =	vst v63  }
0x8a: {  	_ =	swait.ge [sflag:s30], $0x4000  }
0x8b: {  	[sflag:s30] =	ssyncset.done $0x0  }
0x8c: {  	s1 =	simm.s32 $0x4C40;
	[sflag:s30] =	ssyncadd.s32 $0xFFFFC000  }
0x8d: {  	v3 =	vld [tilespmem:s1+$0x30]  }
0x8e: {  	v4 =	vld [tilespmem:s1+$0xFFFFFFD0]  }
0x8f: {  	v5 =	vld [tilespmem:s1+$0xFFFFFFE0]  }
0x90: {  	v6 =	vld [tilespmem:s1+$0xFFFFFFF0]  }
0x91: {  	v9 =	vld [tilespmem:s1+$0x0]  }
0x92: {  	v10 =	vld [tilespmem:s1+$0x10]  }
0x93: {  	v11 =	vld [tilespmem:s1+$0x20]  }
0x94: {  	v12 =	vld [tilespmem:s1+$0xFFFFFFC0]  }
0x95: {  	v13 =	vld.idx.msk [tilespmem:v3+s25+$0x0], $0xffff  }
0x96: {  	v14 =	vld.idx.msk [tilespmem:v4+s25+$0x0], $0xffff  }
0x97: {  	v8 =	vld.idx.msk [tilespmem:v5+s25+$0x0], $0xffff  }
0x98: {  	v7 =	vld.idx.msk [tilespmem:v6+s25+$0x0], $0xffff  }
0x99: {  	v5 =	vld.idx.msk [tilespmem:v9+s25+$0x0], $0xffff  }
0x9a: {  	v4 =	vld.idx.msk [tilespmem:v10+s25+$0x0], $0xffff  }
0x9b: {  	v3 =	vld.idx.msk [tilespmem:v11+s25+$0x0], $0xffff;
	[tilespmem:s1+$0x30] =	vst v13  }
0x9c: {  	s3 =	simm.s32 $0x0;
	s4 =	simm.s32 $0x4CC0;
	v6 =	vld.idx.msk [tilespmem:v12+s25+$0x0], $0xffff;
	[tilespmem:s1+$0xFFFFFFD0] =	vst v14  }
.LBB2_8:
0x9d: {  	v9 =	vld [tilespmem:s4+$0x30];
	s3 =	sadd.s32 $0x8, s3;
	[tilespmem:s1+$0xFFFFFFE0] =	vst v8  }
0x9e: {  	v8 =	vld [tilespmem:s4+$0xFFFFFFD0];
	p0 =	slt.u32 s3, $0x3F8;
	[tilespmem:s1+$0xFFFFFFF0] =	vst v7  }
0x9f: {  	v7 =	vld [tilespmem:s4+$0xFFFFFFE0];
	[tilespmem:s1+$0x0] =	vst v5  }
0xa0: {  	v5 =	vld [tilespmem:s4+$0xFFFFFFF0];
	[tilespmem:s1+$0x10] =	vst v4  }
0xa1: {  	v4 =	vld [tilespmem:s4+$0x0];
	[tilespmem:s1+$0x20] =	vst v3  }
0xa2: {  	v3 =	vld [tilespmem:s4+$0x10];
	[tilespmem:s1+$0xFFFFFFC0] =	vst v6;
	s1 =	smov.u32 s4  }
0xa3: {  	v6 =	vld [tilespmem:s4+$0x20]  }
0xa4: {  	v10 =	vld [tilespmem:s4+$0xFFFFFFC0]  }
0xa5: {  	v9 =	vld.idx.msk [tilespmem:v9+s25+$0x0], $0xffff  }
0xa6: {  	v11 =	vld.idx.msk [tilespmem:v8+s25+$0x0], $0xffff  }
0xa7: {  	v8 =	vld.idx.msk [tilespmem:v7+s25+$0x0], $0xffff  }
.Ltmp3:
0xa8: {  	v7 =	vld.idx.msk [tilespmem:v5+s25+$0x0], $0xffff;
	(pc) =	sbr.rel @p0 .LBB2_8-.Ltmp3, $4  }
0xa9: {  	v5 =	vld.idx.msk [tilespmem:v4+s25+$0x0], $0xffff  }
0xaa: {  	v4 =	vld.idx.msk [tilespmem:v3+s25+$0x0], $0xffff  }
0xab: {  	v3 =	vld.idx.msk [tilespmem:v6+s25+$0x0], $0xffff;
	[tilespmem:s4+$0x30] =	vst v9  }
0xac: {  	s4 =	sadd.s32 $0x80, s4;
	v6 =	vld.idx.msk [tilespmem:v10+s25+$0x0], $0xffff;
	[tilespmem:s1+$0xFFFFFFD0] =	vst v11  }
0xad: {  	[tilespmem:s1+$0xFFFFFFE0] =	vst v8  }
0xae: {  	[tilespmem:s1+$0xFFFFFFF0] =	vst v7  }
0xaf: {  	[tilespmem:s1+$0x0] =	vst v5  }
0xb0: {  	[tilespmem:s1+$0x10] =	vst v4  }
0xb1: {  	[tilespmem:s1+$0x20] =	vst v3  }
0xb2: {  	[tilespmem:s1+$0xFFFFFFC0] =	vst v6  }
0xb3: {  	[hbm4b:s10+s20] =	stream.strided.scatter [tilespmem:s23], [sflag:$0x4], $0x4000, s21, s20, $0x38;
	[tilespmem:$0x10C00] =	vst v63  }
0xb4: {  	_ =	swait.ge [sflag:s31], $0x4000  }
0xb5: {  	[sflag:s31] =	ssyncset.done $0x0  }
0xb6: {  	[sflag:s31] =	ssyncadd.s32 $0xFFFFC000  }
0xb7: {  	[tilespmem:s22], [sflag:$0x2] =	stream.strided.gather [hbm4b:s11+s20], $0x4000, s21, s20, $0x38;
	[tilespmem:$0x10C00] =	vst v63  }
0xb8: {  	_ =	swait.ge [sflag:s2], $0x4000  }
0xb9: {  	[sflag:s2] =	ssyncset.done $0x0  }
0xba: {  	s1 =	simm.s32 $0x8C40;
	[sflag:s2] =	ssyncadd.s32 $0xFFFFC000  }
0xbb: {  	v3 =	vld [tilespmem:s1+$0x30]  }
0xbc: {  	v4 =	vld [tilespmem:s1+$0xFFFFFFD0]  }
0xbd: {  	v5 =	vld [tilespmem:s1+$0xFFFFFFE0]  }
0xbe: {  	v6 =	vld [tilespmem:s1+$0xFFFFFFF0]  }
0xbf: {  	v9 =	vld [tilespmem:s1+$0x0]  }
0xc0: {  	v10 =	vld [tilespmem:s1+$0x10]  }
0xc1: {  	v11 =	vld [tilespmem:s1+$0x20]  }
0xc2: {  	v12 =	vld [tilespmem:s1+$0xFFFFFFC0]  }
0xc3: {  	v13 =	vld.idx.msk [tilespmem:v3+s25+$0x0], $0xffff  }
0xc4: {  	v14 =	vld.idx.msk [tilespmem:v4+s25+$0x0], $0xffff  }
0xc5: {  	v8 =	vld.idx.msk [tilespmem:v5+s25+$0x0], $0xffff  }
0xc6: {  	v7 =	vld.idx.msk [tilespmem:v6+s25+$0x0], $0xffff  }
0xc7: {  	v5 =	vld.idx.msk [tilespmem:v9+s25+$0x0], $0xffff  }
0xc8: {  	v4 =	vld.idx.msk [tilespmem:v10+s25+$0x0], $0xffff  }
0xc9: {  	v3 =	vld.idx.msk [tilespmem:v11+s25+$0x0], $0xffff;
	[tilespmem:s1+$0x30] =	vst v13  }
0xca: {  	s3 =	simm.s32 $0x0;
	s4 =	simm.s32 $0x8CC0;
	v6 =	vld.idx.msk [tilespmem:v12+s25+$0x0], $0xffff;
	[tilespmem:s1+$0xFFFFFFD0] =	vst v14  }
.LBB2_10:
0xcb: {  	v9 =	vld [tilespmem:s4+$0x30];
	s3 =	sadd.s32 $0x8, s3;
	[tilespmem:s1+$0xFFFFFFE0] =	vst v8  }
0xcc: {  	v8 =	vld [tilespmem:s4+$0xFFFFFFD0];
	p0 =	slt.u32 s3, $0x3F8;
	[tilespmem:s1+$0xFFFFFFF0] =	vst v7  }
0xcd: {  	v7 =	vld [tilespmem:s4+$0xFFFFFFE0];
	[tilespmem:s1+$0x0] =	vst v5  }
0xce: {  	v5 =	vld [tilespmem:s4+$0xFFFFFFF0];
	[tilespmem:s1+$0x10] =	vst v4  }
0xcf: {  	v4 =	vld [tilespmem:s4+$0x0];
	[tilespmem:s1+$0x20] =	vst v3  }
0xd0: {  	v3 =	vld [tilespmem:s4+$0x10];
	[tilespmem:s1+$0xFFFFFFC0] =	vst v6;
	s1 =	smov.u32 s4  }
0xd1: {  	v6 =	vld [tilespmem:s4+$0x20]  }
0xd2: {  	v10 =	vld [tilespmem:s4+$0xFFFFFFC0]  }
0xd3: {  	v9 =	vld.idx.msk [tilespmem:v9+s25+$0x0], $0xffff  }
0xd4: {  	v11 =	vld.idx.msk [tilespmem:v8+s25+$0x0], $0xffff  }
0xd5: {  	v8 =	vld.idx.msk [tilespmem:v7+s25+$0x0], $0xffff  }
.Ltmp4:
0xd6: {  	v7 =	vld.idx.msk [tilespmem:v5+s25+$0x0], $0xffff;
	(pc) =	sbr.rel @p0 .LBB2_10-.Ltmp4, $4  }
0xd7: {  	v5 =	vld.idx.msk [tilespmem:v4+s25+$0x0], $0xffff  }
0xd8: {  	v4 =	vld.idx.msk [tilespmem:v3+s25+$0x0], $0xffff  }
0xd9: {  	v3 =	vld.idx.msk [tilespmem:v6+s25+$0x0], $0xffff;
	[tilespmem:s4+$0x30] =	vst v9  }
0xda: {  	s4 =	sadd.s32 $0x80, s4;
	v6 =	vld.idx.msk [tilespmem:v10+s25+$0x0], $0xffff;
	[tilespmem:s1+$0xFFFFFFD0] =	vst v11  }
0xdb: {  	[tilespmem:s1+$0xFFFFFFE0] =	vst v8  }
0xdc: {  	[tilespmem:s1+$0xFFFFFFF0] =	vst v7  }
0xdd: {  	[tilespmem:s1+$0x0] =	vst v5  }
0xde: {  	[tilespmem:s1+$0x10] =	vst v4  }
0xdf: {  	[tilespmem:s1+$0x20] =	vst v3  }
0xe0: {  	[tilespmem:s1+$0xFFFFFFC0] =	vst v6  }
0xe1: {  	[hbm4b:s12+s20] =	stream.strided.scatter [tilespmem:s26], [sflag:$0x4], $0x4000, s21, s20, $0x38;
	[tilespmem:$0x10C00] =	vst v63  }
0xe2: {  	_ =	swait.ge [sflag:s31], $0x4000  }
0xe3: {  	[sflag:s31] =	ssyncset.done $0x0  }
0xe4: {  	[sflag:s31] =	ssyncadd.s32 $0xFFFFC000  }
0xe5: {  	[tilespmem:s23], [sflag:$0x3] =	stream.strided.gather [hbm4b:s13+s20], $0x4000, s21, s20, $0x38;
	[tilespmem:$0x10C00] =	vst v63  }
0xe6: {  	_ =	swait.ge [sflag:s28], $0x4000  }
0xe7: {  	[sflag:s28] =	ssyncset.done $0x0  }
0xe8: {  	s1 =	simm.s32 $0xCC40;
	[sflag:s28] =	ssyncadd.s32 $0xFFFFC000  }
0xe9: {  	v3 =	vld [tilespmem:s1+$0x30]  }
0xea: {  	v4 =	vld [tilespmem:s1+$0xFFFFFFD0]  }
0xeb: {  	v5 =	vld [tilespmem:s1+$0xFFFFFFE0]  }
0xec: {  	v6 =	vld [tilespmem:s1+$0xFFFFFFF0]  }
0xed: {  	v9 =	vld [tilespmem:s1+$0x0]  }
0xee: {  	v10 =	vld [tilespmem:s1+$0x10]  }
0xef: {  	v11 =	vld [tilespmem:s1+$0x20]  }
0xf0: {  	v12 =	vld [tilespmem:s1+$0xFFFFFFC0]  }
0xf1: {  	v13 =	vld.idx.msk [tilespmem:v3+s25+$0x0], $0xffff  }
0xf2: {  	v14 =	vld.idx.msk [tilespmem:v4+s25+$0x0], $0xffff  }
0xf3: {  	v8 =	vld.idx.msk [tilespmem:v5+s25+$0x0], $0xffff  }
0xf4: {  	v7 =	vld.idx.msk [tilespmem:v6+s25+$0x0], $0xffff  }
0xf5: {  	v5 =	vld.idx.msk [tilespmem:v9+s25+$0x0], $0xffff  }
0xf6: {  	v4 =	vld.idx.msk [tilespmem:v10+s25+$0x0], $0xffff  }
0xf7: {  	v3 =	vld.idx.msk [tilespmem:v11+s25+$0x0], $0xffff;
	[tilespmem:s1+$0x30] =	vst v13  }
0xf8: {  	s3 =	simm.s32 $0x0;
	s4 =	simm.s32 $0xCCC0;
	v6 =	vld.idx.msk [tilespmem:v12+s25+$0x0], $0xffff;
	[tilespmem:s1+$0xFFFFFFD0] =	vst v14  }
.LBB2_12:
0xf9: {  	v9 =	vld [tilespmem:s4+$0x30];
	s3 =	sadd.s32 $0x8, s3;
	[tilespmem:s1+$0xFFFFFFE0] =	vst v8  }
0xfa: {  	v8 =	vld [tilespmem:s4+$0xFFFFFFD0];
	p0 =	slt.u32 s3, $0x3F8;
	[tilespmem:s1+$0xFFFFFFF0] =	vst v7  }
0xfb: {  	v7 =	vld [tilespmem:s4+$0xFFFFFFE0];
	[tilespmem:s1+$0x0] =	vst v5  }
0xfc: {  	v5 =	vld [tilespmem:s4+$0xFFFFFFF0];
	[tilespmem:s1+$0x10] =	vst v4  }
0xfd: {  	v4 =	vld [tilespmem:s4+$0x0];
	[tilespmem:s1+$0x20] =	vst v3  }
0xfe: {  	v3 =	vld [tilespmem:s4+$0x10];
	[tilespmem:s1+$0xFFFFFFC0] =	vst v6;
	s1 =	smov.u32 s4  }
0xff: {  	v6 =	vld [tilespmem:s4+$0x20]  }
0x100: {  	v10 =	vld [tilespmem:s4+$0xFFFFFFC0]  }
0x101: {  	v9 =	vld.idx.msk [tilespmem:v9+s25+$0x0], $0xffff  }
0x102: {  	v11 =	vld.idx.msk [tilespmem:v8+s25+$0x0], $0xffff  }
0x103: {  	v8 =	vld.idx.msk [tilespmem:v7+s25+$0x0], $0xffff  }
.Ltmp5:
0x104: {  	v7 =	vld.idx.msk [tilespmem:v5+s25+$0x0], $0xffff;
	(pc) =	sbr.rel @p0 .LBB2_12-.Ltmp5, $4  }
0x105: {  	v5 =	vld.idx.msk [tilespmem:v4+s25+$0x0], $0xffff  }
0x106: {  	v4 =	vld.idx.msk [tilespmem:v3+s25+$0x0], $0xffff  }
0x107: {  	v3 =	vld.idx.msk [tilespmem:v6+s25+$0x0], $0xffff;
	[tilespmem:s4+$0x30] =	vst v9  }
0x108: {  	s4 =	sadd.s32 $0x80, s4;
	v6 =	vld.idx.msk [tilespmem:v10+s25+$0x0], $0xffff;
	[tilespmem:s1+$0xFFFFFFD0] =	vst v11  }
0x109: {  	[tilespmem:s1+$0xFFFFFFE0] =	vst v8  }
0x10a: {  	[tilespmem:s1+$0xFFFFFFF0] =	vst v7  }
0x10b: {  	[tilespmem:s1+$0x0] =	vst v5  }
0x10c: {  	[tilespmem:s1+$0x10] =	vst v4  }
0x10d: {  	[tilespmem:s1+$0x20] =	vst v3  }
0x10e: {  	[tilespmem:s1+$0xFFFFFFC0] =	vst v6  }
0x10f: {  	[hbm4b:s14+s20] =	stream.strided.scatter [tilespmem:s29], [sflag:$0x4], $0x4000, s21, s20, $0x38;
	[tilespmem:$0x10C00] =	vst v63  }
0x110: {  	_ =	swait.ge [sflag:s31], $0x4000  }
0x111: {  	[sflag:s31] =	ssyncset.done $0x0  }
0x112: {  	[sflag:s31] =	ssyncadd.s32 $0xFFFFC000  }
0x113: {  	[tilespmem:s26], [sflag:$0x1] =	stream.strided.gather [hbm4b:s15+s20], $0x1000, s21, s20, $0x38;
	[tilespmem:$0x10C00] =	vst v63  }
0x114: {  	_ =	swait.ge [sflag:s30], $0x4000  }
0x115: {  	[sflag:s30] =	ssyncset.done $0x0  }
0x116: {  	s1 =	simm.s32 $0xC40;
	[sflag:s30] =	ssyncadd.s32 $0xFFFFC000  }
0x117: {  	v3 =	vld [tilespmem:s1+$0x30]  }
0x118: {  	v4 =	vld [tilespmem:s1+$0xFFFFFFD0]  }
0x119: {  	v5 =	vld [tilespmem:s1+$0xFFFFFFE0]  }
0x11a: {  	v6 =	vld [tilespmem:s1+$0xFFFFFFF0]  }
0x11b: {  	v9 =	vld [tilespmem:s1+$0x0]  }
0x11c: {  	v10 =	vld [tilespmem:s1+$0x10]  }
0x11d: {  	v11 =	vld [tilespmem:s1+$0x20]  }
0x11e: {  	v12 =	vld [tilespmem:s1+$0xFFFFFFC0]  }
0x11f: {  	v13 =	vld.idx.msk [tilespmem:v3+s25+$0x0], $0xffff  }
0x120: {  	v14 =	vld.idx.msk [tilespmem:v4+s25+$0x0], $0xffff  }
0x121: {  	v8 =	vld.idx.msk [tilespmem:v5+s25+$0x0], $0xffff  }
0x122: {  	v7 =	vld.idx.msk [tilespmem:v6+s25+$0x0], $0xffff  }
0x123: {  	v5 =	vld.idx.msk [tilespmem:v9+s25+$0x0], $0xffff  }
0x124: {  	v4 =	vld.idx.msk [tilespmem:v10+s25+$0x0], $0xffff  }
0x125: {  	v3 =	vld.idx.msk [tilespmem:v11+s25+$0x0], $0xffff;
	[tilespmem:s1+$0x30] =	vst v13  }
0x126: {  	s3 =	simm.s32 $0x0;
	s4 =	simm.s32 $0xCC0;
	v6 =	vld.idx.msk [tilespmem:v12+s25+$0x0], $0xffff;
	[tilespmem:s1+$0xFFFFFFD0] =	vst v14  }
.LBB2_14:
0x127: {  	v9 =	vld [tilespmem:s4+$0x30];
	s3 =	sadd.s32 $0x8, s3;
	[tilespmem:s1+$0xFFFFFFE0] =	vst v8  }
0x128: {  	v8 =	vld [tilespmem:s4+$0xFFFFFFD0];
	p0 =	slt.u32 s3, $0x3F8;
	[tilespmem:s1+$0xFFFFFFF0] =	vst v7  }
0x129: {  	v7 =	vld [tilespmem:s4+$0xFFFFFFE0];
	[tilespmem:s1+$0x0] =	vst v5  }
0x12a: {  	v5 =	vld [tilespmem:s4+$0xFFFFFFF0];
	[tilespmem:s1+$0x10] =	vst v4  }
0x12b: {  	v4 =	vld [tilespmem:s4+$0x0];
	[tilespmem:s1+$0x20] =	vst v3  }
0x12c: {  	v3 =	vld [tilespmem:s4+$0x10];
	[tilespmem:s1+$0xFFFFFFC0] =	vst v6;
	s1 =	smov.u32 s4  }
0x12d: {  	v6 =	vld [tilespmem:s4+$0x20]  }
0x12e: {  	v10 =	vld [tilespmem:s4+$0xFFFFFFC0]  }
0x12f: {  	v9 =	vld.idx.msk [tilespmem:v9+s25+$0x0], $0xffff  }
0x130: {  	v11 =	vld.idx.msk [tilespmem:v8+s25+$0x0], $0xffff  }
0x131: {  	v8 =	vld.idx.msk [tilespmem:v7+s25+$0x0], $0xffff  }
.Ltmp6:
0x132: {  	v7 =	vld.idx.msk [tilespmem:v5+s25+$0x0], $0xffff;
	(pc) =	sbr.rel @p0 .LBB2_14-.Ltmp6, $4  }
0x133: {  	v5 =	vld.idx.msk [tilespmem:v4+s25+$0x0], $0xffff  }
0x134: {  	v4 =	vld.idx.msk [tilespmem:v3+s25+$0x0], $0xffff  }
0x135: {  	v3 =	vld.idx.msk [tilespmem:v6+s25+$0x0], $0xffff;
	[tilespmem:s4+$0x30] =	vst v9  }
0x136: {  	s4 =	sadd.s32 $0x80, s4;
	v6 =	vld.idx.msk [tilespmem:v10+s25+$0x0], $0xffff;
	[tilespmem:s1+$0xFFFFFFD0] =	vst v11  }
0x137: {  	[tilespmem:s1+$0xFFFFFFE0] =	vst v8  }
0x138: {  	[tilespmem:s1+$0xFFFFFFF0] =	vst v7  }
0x139: {  	[tilespmem:s1+$0x0] =	vst v5  }
0x13a: {  	[tilespmem:s1+$0x10] =	vst v4  }
0x13b: {  	[tilespmem:s1+$0x20] =	vst v3  }
0x13c: {  	[tilespmem:s1+$0xFFFFFFC0] =	vst v6  }
0x13d: {  	[hbm4b:s16+s20] =	stream.strided.scatter [tilespmem:s22], [sflag:$0x4], $0x4000, s21, s20, $0x38;
	[tilespmem:$0x10C00] =	vst v63  }
0x13e: {  	_ =	swait.ge [sflag:s2], $0x4000  }
0x13f: {  	[sflag:s2] =	ssyncset.done $0x0  }
0x140: {  	s1 =	simm.s32 $0x4C40;
	[sflag:s2] =	ssyncadd.s32 $0xFFFFC000  }
0x141: {  	v3 =	vld [tilespmem:s1+$0x30]  }
0x142: {  	v4 =	vld [tilespmem:s1+$0xFFFFFFD0]  }
0x143: {  	v5 =	vld [tilespmem:s1+$0xFFFFFFE0]  }
0x144: {  	v6 =	vld [tilespmem:s1+$0xFFFFFFF0]  }
0x145: {  	v9 =	vld [tilespmem:s1+$0x0]  }
0x146: {  	v10 =	vld [tilespmem:s1+$0x10]  }
0x147: {  	v11 =	vld [tilespmem:s1+$0x20]  }
0x148: {  	v12 =	vld [tilespmem:s1+$0xFFFFFFC0]  }
0x149: {  	v13 =	vld.idx.msk [tilespmem:v3+s25+$0x0], $0xffff  }
0x14a: {  	v14 =	vld.idx.msk [tilespmem:v4+s25+$0x0], $0xffff  }
0x14b: {  	v8 =	vld.idx.msk [tilespmem:v5+s25+$0x0], $0xffff  }
0x14c: {  	v7 =	vld.idx.msk [tilespmem:v6+s25+$0x0], $0xffff  }
0x14d: {  	v5 =	vld.idx.msk [tilespmem:v9+s25+$0x0], $0xffff  }
0x14e: {  	v4 =	vld.idx.msk [tilespmem:v10+s25+$0x0], $0xffff  }
0x14f: {  	v3 =	vld.idx.msk [tilespmem:v11+s25+$0x0], $0xffff;
	[tilespmem:s1+$0x30] =	vst v13  }
0x150: {  	s3 =	simm.s32 $0x0;
	s4 =	simm.s32 $0x4CC0;
	v6 =	vld.idx.msk [tilespmem:v12+s25+$0x0], $0xffff;
	[tilespmem:s1+$0xFFFFFFD0] =	vst v14  }
.LBB2_16:
0x151: {  	v9 =	vld [tilespmem:s4+$0x30];
	s3 =	sadd.s32 $0x8, s3;
	[tilespmem:s1+$0xFFFFFFE0] =	vst v8  }
0x152: {  	v8 =	vld [tilespmem:s4+$0xFFFFFFD0];
	p0 =	slt.u32 s3, $0x3F8;
	[tilespmem:s1+$0xFFFFFFF0] =	vst v7  }
0x153: {  	v7 =	vld [tilespmem:s4+$0xFFFFFFE0];
	[tilespmem:s1+$0x0] =	vst v5  }
0x154: {  	v5 =	vld [tilespmem:s4+$0xFFFFFFF0];
	[tilespmem:s1+$0x10] =	vst v4  }
0x155: {  	v4 =	vld [tilespmem:s4+$0x0];
	[tilespmem:s1+$0x20] =	vst v3  }
0x156: {  	v3 =	vld [tilespmem:s4+$0x10];
	[tilespmem:s1+$0xFFFFFFC0] =	vst v6;
	s1 =	smov.u32 s4  }
0x157: {  	v6 =	vld [tilespmem:s4+$0x20]  }
0x158: {  	v10 =	vld [tilespmem:s4+$0xFFFFFFC0]  }
0x159: {  	v9 =	vld.idx.msk [tilespmem:v9+s25+$0x0], $0xffff  }
0x15a: {  	v11 =	vld.idx.msk [tilespmem:v8+s25+$0x0], $0xffff  }
0x15b: {  	v8 =	vld.idx.msk [tilespmem:v7+s25+$0x0], $0xffff  }
.Ltmp7:
0x15c: {  	v7 =	vld.idx.msk [tilespmem:v5+s25+$0x0], $0xffff;
	(pc) =	sbr.rel @p0 .LBB2_16-.Ltmp7, $4  }
0x15d: {  	v5 =	vld.idx.msk [tilespmem:v4+s25+$0x0], $0xffff  }
0x15e: {  	v4 =	vld.idx.msk [tilespmem:v3+s25+$0x0], $0xffff  }
0x15f: {  	v3 =	vld.idx.msk [tilespmem:v6+s25+$0x0], $0xffff;
	[tilespmem:s4+$0x30] =	vst v9  }
0x160: {  	s4 =	sadd.s32 $0x80, s4;
	v6 =	vld.idx.msk [tilespmem:v10+s25+$0x0], $0xffff;
	[tilespmem:s1+$0xFFFFFFD0] =	vst v11  }
0x161: {  	[tilespmem:s1+$0xFFFFFFE0] =	vst v8  }
0x162: {  	[tilespmem:s1+$0xFFFFFFF0] =	vst v7  }
0x163: {  	[tilespmem:s1+$0x0] =	vst v5  }
0x164: {  	[tilespmem:s1+$0x10] =	vst v4  }
0x165: {  	[tilespmem:s1+$0x20] =	vst v3  }
0x166: {  	[tilespmem:s1+$0xFFFFFFC0] =	vst v6  }
0x167: {  	[hbm4b:s17+s20] =	stream.strided.scatter [tilespmem:s23], [sflag:$0x4], $0x4000, s21, s20, $0x38;
	[tilespmem:$0x10C00] =	vst v63  }
0x168: {  	_ =	swait.ge [sflag:s28], $0x1000  }
0x169: {  	[sflag:s28] =	ssyncset.done $0x0  }
0x16a: {  	s1 =	simm.s32 $0x8C40;
	[sflag:s28] =	ssyncadd.s32 $0xFFFFF000  }
0x16b: {  	v3 =	vld [tilespmem:s1+$0x30]  }
0x16c: {  	v4 =	vld [tilespmem:s1+$0xFFFFFFD0]  }
0x16d: {  	v5 =	vld [tilespmem:s1+$0xFFFFFFE0]  }
0x16e: {  	v6 =	vld [tilespmem:s1+$0xFFFFFFF0]  }
0x16f: {  	v9 =	vld [tilespmem:s1+$0x0]  }
0x170: {  	v10 =	vld [tilespmem:s1+$0x10]  }
0x171: {  	v11 =	vld [tilespmem:s1+$0x20]  }
0x172: {  	v12 =	vld [tilespmem:s1+$0xFFFFFFC0]  }
0x173: {  	v13 =	vld.idx.msk [tilespmem:v3+s25+$0x0], $0xffff  }
0x174: {  	v14 =	vld.idx.msk [tilespmem:v4+s25+$0x0], $0xffff  }
0x175: {  	v8 =	vld.idx.msk [tilespmem:v5+s25+$0x0], $0xffff  }
0x176: {  	v7 =	vld.idx.msk [tilespmem:v6+s25+$0x0], $0xffff  }
0x177: {  	v5 =	vld.idx.msk [tilespmem:v9+s25+$0x0], $0xffff  }
0x178: {  	v4 =	vld.idx.msk [tilespmem:v10+s25+$0x0], $0xffff  }
0x179: {  	v3 =	vld.idx.msk [tilespmem:v11+s25+$0x0], $0xffff;
	[tilespmem:s1+$0x30] =	vst v13  }
0x17a: {  	s3 =	simm.s32 $0x0;
	s4 =	simm.s32 $0x8CC0;
	v6 =	vld.idx.msk [tilespmem:v12+s25+$0x0], $0xffff;
	[tilespmem:s1+$0xFFFFFFD0] =	vst v14  }
.LBB2_18:
0x17b: {  	v9 =	vld [tilespmem:s4+$0x30];
	s3 =	sadd.s32 $0x8, s3;
	[tilespmem:s1+$0xFFFFFFE0] =	vst v8  }
0x17c: {  	v8 =	vld [tilespmem:s4+$0xFFFFFFD0];
	p0 =	slt.u32 s3, $0xF8;
	[tilespmem:s1+$0xFFFFFFF0] =	vst v7  }
0x17d: {  	v7 =	vld [tilespmem:s4+$0xFFFFFFE0];
	[tilespmem:s1+$0x0] =	vst v5  }
0x17e: {  	v5 =	vld [tilespmem:s4+$0xFFFFFFF0];
	[tilespmem:s1+$0x10] =	vst v4  }
0x17f: {  	v4 =	vld [tilespmem:s4+$0x0];
	[tilespmem:s1+$0x20] =	vst v3  }
0x180: {  	v3 =	vld [tilespmem:s4+$0x10];
	[tilespmem:s1+$0xFFFFFFC0] =	vst v6;
	s1 =	smov.u32 s4  }
0x181: {  	v6 =	vld [tilespmem:s4+$0x20]  }
0x182: {  	v10 =	vld [tilespmem:s4+$0xFFFFFFC0]  }
0x183: {  	v9 =	vld.idx.msk [tilespmem:v9+s25+$0x0], $0xffff  }
0x184: {  	v11 =	vld.idx.msk [tilespmem:v8+s25+$0x0], $0xffff  }
0x185: {  	v8 =	vld.idx.msk [tilespmem:v7+s25+$0x0], $0xffff  }
.Ltmp8:
0x186: {  	v7 =	vld.idx.msk [tilespmem:v5+s25+$0x0], $0xffff;
	(pc) =	sbr.rel @p0 .LBB2_18-.Ltmp8, $4  }
0x187: {  	v5 =	vld.idx.msk [tilespmem:v4+s25+$0x0], $0xffff  }
0x188: {  	v4 =	vld.idx.msk [tilespmem:v3+s25+$0x0], $0xffff  }
0x189: {  	v3 =	vld.idx.msk [tilespmem:v6+s25+$0x0], $0xffff;
	[tilespmem:s4+$0x30] =	vst v9  }
0x18a: {  	s4 =	sadd.s32 $0x80, s4;
	v6 =	vld.idx.msk [tilespmem:v10+s25+$0x0], $0xffff;
	[tilespmem:s1+$0xFFFFFFD0] =	vst v11  }
0x18b: {  	[tilespmem:s1+$0xFFFFFFE0] =	vst v8  }
0x18c: {  	[tilespmem:s1+$0xFFFFFFF0] =	vst v7  }
0x18d: {  	[tilespmem:s1+$0x0] =	vst v5  }
0x18e: {  	[tilespmem:s1+$0x10] =	vst v4  }
0x18f: {  	[tilespmem:s1+$0x20] =	vst v3  }
0x190: {  	[tilespmem:s1+$0xFFFFFFC0] =	vst v6  }
0x191: {  	[hbm4b:s18+s20] =	stream.strided.scatter [tilespmem:s26], [sflag:$0x4], $0x1000, s21, s20, $0x38;
	[tilespmem:$0x10C00] =	vst v63  }
0x192: {  	_ =	swait.ge [sflag:s31], $0x4000  }
0x193: {  	[sflag:s31] =	ssyncset.done $0x0  }
0x194: {  	[sflag:s31] =	ssyncadd.s32 $0xFFFFC000  }
0x195: {  	_ =	swait.ge [sflag:s31], $0x4000  }
0x196: {  	[sflag:s31] =	ssyncset.done $0x0  }
0x197: {  	s0 =	sadd.s32 $0x1, s0;
	[sflag:s31] =	ssyncadd.s32 $0xFFFFC000  }
0x198: {  	p0 =	sne.s32 s0, s19;
	_ =	swait.ge [sflag:s31], $0x4000  }
.Ltmp9:
0x199: {  	[sflag:s31] =	ssyncset.done $0x0;
	(pc) =	sbr.rel @p0 .LBB2_1-.Ltmp9, $4  }
0x19a: {  	[sflag:s31] =	ssyncadd.s32 $0xFFFFC000  }
0x19b: {  	_ =	swait.ge [sflag:s31], $0x1000  }
0x19c: {  	[sflag:s31] =	ssyncset.done $0x0  }
0x19d: {  	[sflag:s31] =	ssyncadd.s32 $0xFFFFF000  }
0x19e: {  	_ =	sfence.sel $0x180000  }
0x19f: {  	[bflag:$0x0] =	sbarrier.arrive $0xFFFF  }
0x1a0: {  	_ =	strace $0x90000047  }
0x1a1: {  	s0 =	stileid.u32;
	[bflag:$0x2] =	sbarrier.arrive $0xFFFF  }
0x1a2: {  	p0 =	sne.s32 s0, $0x0;
	s0 =	rddreg [dreg:$0x4]  }
0x1a3: {  	s0 =	sadd.s32 @!p0 $0x100000, s0  }
0x1a4: {  	[sflag:s0] =	ssyncadd.tile.s32 @!p0 $0x1;
	_ =	shalt  }
.Lfunc_end2:
_tile_overlayer_lowered:
.L_overlay_start_2:
0x1a5: {  	(tag) =	ssettag $0x2  }
0x1a6: {  	s0 =	rddreg [dreg:$0x0];
	s2 =	stileid.u32  }
0x1a7: {  	s1 =	rddreg [dreg:$0x1];
	p0 =	sne.s32 s2, $0x0  }
0x1a8: {  	s3 =	rddreg [dreg:$0x2];
	[bflag:$0x3] =	sbarrier.arrive $0xFFFF;
	s2 =	simm.s32 @!p0 $0x1C05  }
0x1a9: {  	[timem:s3], [sflag:s2] =	dma.local @!p0 [hbm:s0], s1  }
0x1aa: {  	s0 =	simm.s32 @!p0 $0x5  }
0x1ab: {  	_ =	swait.ge @!p0 [sflag:s0], s1  }
0x1ac: {  	s1 =	ssub.s32 @!p0 $0x0, s1;
	[sflag:s0] =	ssyncset.done @!p0 $0x0  }
0x1ad: {  	[sflag:s0] =	ssyncadd.s32 @!p0 s1  }
0x1ae: {  	[bflag:$0x3] =	sbarrier.arrive $0xFFFF  }
0x1af: {  	_ =	shalt  }

</sc_bundles>
